<compile_context>
chip_gen: v7x
topology: tpu7x:2x2x1
jax: 0.10.2.dev20260603
libtpu: 0.0.44.dev20260713+nightly
codegen_flags: <defaults>
</compile_context>

<pallas_src>
import functools

import numpy as np
import jax
import jax.numpy as jnp
from jax import lax
from jax.experimental import pallas as pl
from jax.experimental.pallas import tpu as pltpu
from jax.experimental.pallas import tpu_sc as plsc

N = 10000
E = 320000
D_IN = 128
H = 4
D_H = 32
HD = H * D_H
COLS = HD + 16
SCALE = 1.0 / np.sqrt(D_H)

NC = 2
NS = 16
NW = NC * NS
EPT = E // NW
C = 40
NCHUNK = EPT // C
NPAD = 10240
RPT = NPAD // NS
DRPT = NPAD // 8 // NS


def _qkvs_body(x_ref, w_ref, bq_ref, bs_ref, q_ref, kv_ref, xr_ref):
    y = jnp.dot(x_ref[...], w_ref[...], preferred_element_type=jnp.float32)
    q_ref[...] = y[:, :HD] + bq_ref[...]
    kv_ref[...] = y[:, HD:3 * HD]
    xr_ref[...] = y[:, 3 * HD:] + bs_ref[...]


def _qkvs(x, wcat, bq, bs):
    bn = 2000
    grid = (N // bn,)
    return pl.pallas_call(
        _qkvs_body,
        grid=grid,
        in_specs=[
            pl.BlockSpec((bn, D_IN), lambda i: (i, 0)),
            pl.BlockSpec((D_IN, 4 * HD), lambda i: (0, 0)),
            pl.BlockSpec((1, HD), lambda i: (0, 0)),
            pl.BlockSpec((1, HD), lambda i: (0, 0)),
        ],
        out_specs=[
            pl.BlockSpec((bn, HD), lambda i: (i, 0)),
            pl.BlockSpec((bn, 2 * HD), lambda i: (i, 0)),
            pl.BlockSpec((bn, HD), lambda i: (i, 0)),
        ],
        out_shape=[
            jax.ShapeDtypeStruct((N, HD), jnp.float32),
            jax.ShapeDtypeStruct((N, 2 * HD), jnp.float32),
            jax.ShapeDtypeStruct((N, HD), jnp.float32),
        ],
    )(x, wcat, bq, bs)


def _sc_body(q_hbm, kv_hbm, src_hbm, dst_hbm, ea_hbm, z_hbm,
             num_hbm, den_hbm,
             sidx, didx, didx8, qrows, kvrows, earows, msg, dmsg, dstage,
             acc_num, acc_den, sem):
    c = lax.axis_index("c")
    s = lax.axis_index("s")
    w = c * NS + s

    pltpu.sync_copy(z_hbm.at[pl.ds(s * RPT, RPT)], acc_num.at[pl.ds(s * RPT, RPT)])
    pltpu.sync_copy(z_hbm.at[pl.ds(s * DRPT, DRPT)], acc_den.at[pl.ds(s * DRPT, DRPT)])
    pltpu.sync_copy(z_hbm.at[pl.ds(0, C)], dmsg)
    plsc.subcore_barrier()

    lanes = lax.iota(jnp.int32, 16)
    zvec = jnp.zeros((16,), jnp.float32)
    bfly = [lanes ^ sh for sh in (8, 4, 2, 1)]
    gdn = lax.GatherDimensionNumbers(
        offset_dims=(), collapsed_slice_dims=(0,), start_index_map=(0,))

    def xlane_sum(t):
        for idx in bfly:
            t = t + lax.gather(t, idx[:, None], gdn, slice_sizes=(1,),
                               mode=lax.GatherScatterMode.PROMISE_IN_BOUNDS)
        return t

    gbases = list(range(0, C - 15, 16))
    if C % 16:
        gbases.append(C - 16)

    def chunk_body(j, carry):
        base = w * EPT + j * C
        pltpu.sync_copy(src_hbm.at[pl.ds(base, C)], sidx)
        pltpu.sync_copy(dst_hbm.at[pl.ds(base, C)], didx)
        cp_q = pltpu.async_copy(q_hbm.at[didx], qrows, sem)
        cp_kv = pltpu.async_copy(kv_hbm.at[sidx], kvrows, sem)
        pltpu.sync_copy(ea_hbm.at[pl.ds(base, C)], earows)
        for b in gbases:
            didx8[pl.ds(b, 16)] = lax.shift_right_logical(didx[pl.ds(b, 16)], 3)
        cp_q.wait()
        cp_kv.wait()

        def edge_body(i, carry2):
            den = zvec
            for h in range(H):
                o1 = h * D_H
                o2 = o1 + 16
                eaa = earows[i, pl.ds(o1, 16)]
                eab = earows[i, pl.ds(o2, 16)]
                ka = kvrows[i, pl.ds(o1, 16)] + eaa
                kb = kvrows[i, pl.ds(o2, 16)] + eab
                t = qrows[i, pl.ds(o1, 16)] * ka + qrows[i, pl.ds(o2, 16)] * kb
                p = jnp.exp(xlane_sum(t) * SCALE)
                msg[i, pl.ds(o1, 16)] = p * (kvrows[i, pl.ds(HD + o1, 16)] + eaa)
                msg[i, pl.ds(o2, 16)] = p * (kvrows[i, pl.ds(HD + o2, 16)] + eab)
                den = den + jnp.where(lanes == h, p, 0.0)
            dstage[i, :] = den
            return carry2

        lax.fori_loop(0, C, edge_body, 0)

        for b in gbases:
            rows = b + lanes
            colbase = (didx[pl.ds(b, 16)] & 7) * 16
            for h in range(H):
                vals = plsc.load_gather(dstage, [rows, jnp.broadcast_to(h, (16,))])
                plsc.store_scatter(dmsg, [rows, colbase + h], vals)

        pltpu.sync_copy(msg, acc_num.at[didx], add=True)
        pltpu.sync_copy(dmsg, acc_den.at[didx8], add=True)

        for b in gbases:
            rows = b + lanes
            colbase = (didx[pl.ds(b, 16)] & 7) * 16
            for h in range(H):
                plsc.store_scatter(dmsg, [rows, colbase + h], zvec)
        return carry

    lax.fori_loop(0, NCHUNK, chunk_body, 0)
    plsc.subcore_barrier()
    pltpu.sync_copy(acc_num.at[pl.ds(s * RPT, RPT)],
                    num_hbm.at[c, pl.ds(s * RPT, RPT)])
    pltpu.sync_copy(acc_den.at[pl.ds(s * DRPT, DRPT)],
                    den_hbm.at[c, pl.ds(s * DRPT, DRPT)])


def _sc_edge(q, kv, src, dst, ea, zeros):
    mesh = plsc.VectorSubcoreMesh(core_axis_name="c", subcore_axis_name="s")
    f = functools.partial(
        pl.kernel,
        mesh=mesh,
        compiler_params=pltpu.CompilerParams(needs_layout_passes=False),
        out_type=(jax.ShapeDtypeStruct((NC, NPAD, HD), jnp.float32),
                  jax.ShapeDtypeStruct((NC, NPAD // 8, HD), jnp.float32)),
        scratch_types=[
            pltpu.VMEM((C,), jnp.int32),
            pltpu.VMEM((C,), jnp.int32),
            pltpu.VMEM((C,), jnp.int32),
            pltpu.VMEM((C, HD), jnp.float32),
            pltpu.VMEM((C, 2 * HD), jnp.float32),
            pltpu.VMEM((C, HD), jnp.float32),
            pltpu.VMEM((C, HD), jnp.float32),
            pltpu.VMEM((C, HD), jnp.float32),
            pltpu.VMEM((C, 16), jnp.float32),
            pltpu.VMEM_SHARED((NPAD, HD), jnp.float32),
            pltpu.VMEM_SHARED((NPAD // 8, HD), jnp.float32),
            pltpu.SemaphoreType.DMA,
        ],
    )(_sc_body)
    return f(q, kv, src, dst, ea, zeros)


def _final_body(num_ref, d16_ref, xr_ref, wo_ref, wx_ref, bb_ref, s_ref, o_ref):
    num = num_ref[0] + num_ref[1]
    den16 = d16_ref[0] + d16_ref[1]
    den = jnp.dot(den16, s_ref[...], preferred_element_type=jnp.float32)
    outm = num / (den + 1e-16)
    xr = xr_ref[...]
    z = (jnp.dot(outm, wo_ref[...], preferred_element_type=jnp.float32)
         + jnp.dot(xr, wx_ref[...], preferred_element_type=jnp.float32)
         + bb_ref[...])
    beta = jax.nn.sigmoid(z)
    o_ref[...] = beta * xr + (1.0 - beta) * outm


def _final(num, d16, xr, wo, wx, bb, smat):
    bn = 2000
    grid = (N // bn,)
    return pl.pallas_call(
        _final_body,
        grid=grid,
        in_specs=[
            pl.BlockSpec((NC, bn, HD), lambda i: (0, i, 0)),
            pl.BlockSpec((NC, bn, 16), lambda i: (0, i, 0)),
            pl.BlockSpec((bn, HD), lambda i: (i, 0)),
            pl.BlockSpec((HD, HD), lambda i: (0, 0)),
            pl.BlockSpec((HD, HD), lambda i: (0, 0)),
            pl.BlockSpec((1, HD), lambda i: (0, 0)),
            pl.BlockSpec((16, HD), lambda i: (0, 0)),
        ],
        out_specs=pl.BlockSpec((bn, HD), lambda i: (i, 0)),
        out_shape=jax.ShapeDtypeStruct((N, HD), jnp.float32),
    )(num, d16, xr, wo, wx, bb, smat)


_SMAT = np.zeros((16, HD), np.float32)
for _h in range(H):
    _SMAT[_h, _h * D_H:(_h + 1) * D_H] = 1.0


def kernel(x, edge_index, edge_attr, Wq, bq, Wk, Wv, Wskip, bskip, Wbeta, bbeta):
    src = edge_index[0]
    dst = edge_index[1]
    wcat = jnp.concatenate([Wq, Wk, Wv, Wskip], axis=1)
    q, kv, xr = _qkvs(x, wcat, bq[None, :], bskip[None, :])
    zeros = jnp.zeros((NPAD, HD), jnp.float32)
    nd_num, nd_den = _sc_edge(q, kv, src, dst, edge_attr, zeros)
    num = nd_num[:, :N]
    d16 = nd_den.reshape(NC, NPAD, 16)[:, :N]
    wo = Wbeta[:HD] + Wbeta[2 * HD:]
    wx = Wbeta[HD:2 * HD] - Wbeta[2 * HD:]
    return _final(num, d16, xr, wo, wx, bbeta[None, :], jnp.asarray(_SMAT))

# --- scband reference (transcript-rebuilt; emitter-appended) ---
"""Pipeline reference for scband-uccaencoder-33921651704716 (READ-ONLY COPY).

The authoritative reference and input builder live on the scoring server;
editing this copy changes nothing except your own understanding.
"""

import jax, jax.numpy as jnp
import numpy as np

N = 10000
E = 320000
D_IN = 128
H = 4
D_H = 32
HD = H * D_H


def setup_inputs(seed: int = 0) -> dict:
    key = jax.random.key(seed)
    ks = jax.random.split(key, 12)
    s_in = 1.0 / np.sqrt(D_IN)
    s_beta = 1.0 / np.sqrt(3 * HD)
    x = jax.random.normal(ks[0], (N, D_IN), dtype=jnp.float32)
    edge_index = jax.random.randint(ks[1], (2, E), 0, N, dtype=jnp.int32)
    edge_attr = jax.random.normal(ks[2], (E, HD), dtype=jnp.float32)
    Wq = jax.random.normal(ks[3], (D_IN, HD), dtype=jnp.float32) * s_in
    bq = jnp.full((HD,), 0.01, dtype=jnp.float32)
    Wk = jax.random.normal(ks[4], (D_IN, HD), dtype=jnp.float32) * s_in
    Wv = jax.random.normal(ks[5], (D_IN, HD), dtype=jnp.float32) * s_in
    Wskip = jax.random.normal(ks[6], (D_IN, HD), dtype=jnp.float32) * s_in
    bskip = jnp.full((HD,), 0.01, dtype=jnp.float32)
    Wbeta = jax.random.normal(ks[7], (3 * HD, HD), dtype=jnp.float32) * s_beta
    bbeta = jnp.full((HD,), 0.01, dtype=jnp.float32)
    return {"x": x, "edge_index": edge_index, "edge_attr": edge_attr,
            "Wq": Wq, "bq": bq, "Wk": Wk, "Wv": Wv,
            "Wskip": Wskip, "bskip": bskip, "Wbeta": Wbeta, "bbeta": bbeta}


def reference(x, edge_index, edge_attr, Wq, bq, Wk, Wv, Wskip, bskip, Wbeta, bbeta):
    # GraphTransformer layer (core of UCCAEncoder), eval mode (dropout off),
    # quant_noise p=0 so linears are plain matmuls. PyG source_to_target flow:
    # x_j = x[src] = x[edge_index[0]], x_i = x[dst] = x[edge_index[1]], index = dst.
    src = edge_index[0]
    dst = edge_index[1]
    x_i = jnp.take(x, dst, axis=0)
    x_j = jnp.take(x, src, axis=0)
    query = (x_i @ Wq + bq).reshape(-1, H, D_H)
    key = (x_j @ Wk).reshape(-1, H, D_H)
    ea = edge_attr.reshape(-1, H, D_H)
    key = key + ea
    # Transformer-variant attention score + segment softmax over dst
    alpha = (query * key).sum(-1) / np.sqrt(D_H)  # [E, H]
    seg_max = jax.ops.segment_max(alpha, dst, num_segments=N)  # [N, H]
    seg_max = jnp.where(jnp.isfinite(seg_max), seg_max, 0.0)
    alpha = jnp.exp(alpha - jnp.take(seg_max, dst, axis=0))
    denom = jax.ops.segment_sum(alpha, dst, num_segments=N)  # [N, H]
    alpha = alpha / (jnp.take(denom, dst, axis=0) + 1e-16)
    value = (x_j @ Wv).reshape(-1, H, D_H) + ea
    msgs = value * alpha[:, :, None]  # [E, H, D_H]
    out = jax.ops.segment_sum(msgs, dst, num_segments=N)  # [N, H, D_H]
    out = out.reshape(-1, HD)
    x_r = x @ Wskip + bskip
    beta = jax.nn.sigmoid(jnp.concatenate([out, x_r, out - x_r], axis=-1) @ Wbeta + bbeta)
    out = beta * x_r + (1.0 - beta) * out
    return out

if __name__ == "__main__":
    import jax
    _d = setup_inputs()
    print(jax.jit(kernel)(*tuple(_d.values())))

</pallas_src>

<mosaic_0001>
#map = affine_map<(d0, d1) -> (0, 0)>
#map1 = affine_map<(d0, d1) -> (0)>
#map2 = affine_map<(d0, d1) -> (0, 0, 0)>
module attributes {stable_mosaic.version = 14 : i64} {
  func.func @_sc_body(%arg0: i32, %arg1: i32, %arg2: memref<10000x128xf32, #tpu.memory_space<hbm>>, %arg3: memref<10000x256xf32, #tpu.memory_space<hbm>>, %arg4: memref<320000xi32, #tpu.memory_space<hbm>>, %arg5: memref<320000xi32, #tpu.memory_space<hbm>>, %arg6: memref<320000x128xf32, #tpu.memory_space<hbm>>, %arg7: memref<10240x128xf32, #tpu.memory_space<hbm>>, %arg8: memref<2x10240x128xf32, #tpu.memory_space<hbm>>, %arg9: memref<2x1280x128xf32, #tpu.memory_space<hbm>>, %arg10: memref<40xi32, #tpu.memory_space<vmem>>, %arg11: memref<40xi32, #tpu.memory_space<vmem>>, %arg12: memref<40xi32, #tpu.memory_space<vmem>>, %arg13: memref<40x128xf32, #tpu.memory_space<vmem>>, %arg14: memref<40x256xf32, #tpu.memory_space<vmem>>, %arg15: memref<40x128xf32, #tpu.memory_space<vmem>>, %arg16: memref<40x128xf32, #tpu.memory_space<vmem>>, %arg17: memref<40x128xf32, #tpu.memory_space<vmem>>, %arg18: memref<40x16xf32, #tpu.memory_space<vmem>>, %arg19: memref<10240x128xf32, #tpu.memory_space<vmem_shared>>, %arg20: memref<1280x128xf32, #tpu.memory_space<vmem_shared>>, %arg21: memref<!tpu.dma_semaphore, #tpu.memory_space<semaphore_mem>>) attributes {dimension_semantics = [#tpu.dimension_semantics<core_parallel>, #tpu.dimension_semantics<subcore_parallel>], iteration_bounds = array<i64: 2, 16>, scalar_prefetch = 0 : i64, scratch_operands = 12 : i64, tpu.core_type = #tpu.core_type<sc_vector_subcore>, window_params = [{transform_indices = #map}, {transform_indices = #map}, {transform_indices = #map1}, {transform_indices = #map1}, {transform_indices = #map}, {transform_indices = #map}, {transform_indices = #map2}, {transform_indices = #map2}]} {
    %mul3A = arith.constant 16 : i32
    %mul3A_0 = arith.muli %arg0, %mul3A : i32
    %add3A = arith.addi %mul3A_0, %arg1 : i32
    %mul3A_1 = arith.constant 640 : i32
    %mul3A_2 = arith.muli %arg1, %mul3A_1 : i32
    %mul3A_3 = arith.constant 640 : i32
    %mul3A_4 = arith.muli %arg1, %mul3A_3 : i32
    "tpu.region"() ({
      %run_scoped3A = tpu.sem_alloc : memref<!tpu.dma_semaphore, #tpu.memory_space<semaphore_mem>>
      %dma_start3A = arith.constant 0 : i32
      %dma_start3A_35 = tpu.memref_slice %arg19[%mul3A_4, %dma_start3A] : memref<10240x128xf32, #tpu.memory_space<vmem_shared>> -> memref<640x128xf32, #tpu.memory_space<vmem_shared>>
      %dma_start3A_36 = arith.constant 0 : i32
      %dma_start3A_37 = tpu.memref_slice %arg7[%mul3A_2, %dma_start3A_36] : memref<10240x128xf32, #tpu.memory_space<hbm>> -> memref<640x128xf32, #tpu.memory_space<hbm>>
      tpu.enqueue_dma source(%dma_start3A_37 : memref<640x128xf32, #tpu.memory_space<hbm>>) target(%dma_start3A_35 : memref<640x128xf32, #tpu.memory_space<vmem_shared>>) target_semaphore(%run_scoped3A : memref<!tpu.dma_semaphore, #tpu.memory_space<semaphore_mem>>)
      %dma_wait3A = arith.constant 0 : i32
      %dma_wait3A_38 = tpu.memref_slice %arg19[%mul3A_4, %dma_wait3A] : memref<10240x128xf32, #tpu.memory_space<vmem_shared>> -> memref<640x128xf32, #tpu.memory_space<vmem_shared>>
      %dma_wait3A_39 = arith.constant 0 : i32
      %dma_wait3A_40 = tpu.memref_slice %arg7[%mul3A_2, %dma_wait3A_39] : memref<10240x128xf32, #tpu.memory_space<hbm>> -> memref<640x128xf32, #tpu.memory_space<hbm>>
      tpu.wait_dma2 semaphore(%run_scoped3A : memref<!tpu.dma_semaphore, #tpu.memory_space<semaphore_mem>>) src(%dma_wait3A_40 : memref<640x128xf32, #tpu.memory_space<hbm>>) dst(%dma_wait3A_38 : memref<640x128xf32, #tpu.memory_space<vmem_shared>>)
      tpu.yield
    }) : () -> ()
    %mul3A_5 = arith.constant 80 : i32
    %mul3A_6 = arith.muli %arg1, %mul3A_5 : i32
    %mul3A_7 = arith.constant 80 : i32
    %mul3A_8 = arith.muli %arg1, %mul3A_7 : i32
    "tpu.region"() ({
      %run_scoped3A = tpu.sem_alloc : memref<!tpu.dma_semaphore, #tpu.memory_space<semaphore_mem>>
      %dma_start3A = arith.constant 0 : i32
      %dma_start3A_35 = tpu.memref_slice %arg20[%mul3A_8, %dma_start3A] : memref<1280x128xf32, #tpu.memory_space<vmem_shared>> -> memref<80x128xf32, #tpu.memory_space<vmem_shared>>
      %dma_start3A_36 = arith.constant 0 : i32
      %dma_start3A_37 = tpu.memref_slice %arg7[%mul3A_6, %dma_start3A_36] : memref<10240x128xf32, #tpu.memory_space<hbm>> -> memref<80x128xf32, #tpu.memory_space<hbm>>
      tpu.enqueue_dma source(%dma_start3A_37 : memref<80x128xf32, #tpu.memory_space<hbm>>) target(%dma_start3A_35 : memref<80x128xf32, #tpu.memory_space<vmem_shared>>) target_semaphore(%run_scoped3A : memref<!tpu.dma_semaphore, #tpu.memory_space<semaphore_mem>>)
      %dma_wait3A = arith.constant 0 : i32
      %dma_wait3A_38 = tpu.memref_slice %arg20[%mul3A_8, %dma_wait3A] : memref<1280x128xf32, #tpu.memory_space<vmem_shared>> -> memref<80x128xf32, #tpu.memory_space<vmem_shared>>
      %dma_wait3A_39 = arith.constant 0 : i32
      %dma_wait3A_40 = tpu.memref_slice %arg7[%mul3A_6, %dma_wait3A_39] : memref<10240x128xf32, #tpu.memory_space<hbm>> -> memref<80x128xf32, #tpu.memory_space<hbm>>
      tpu.wait_dma2 semaphore(%run_scoped3A : memref<!tpu.dma_semaphore, #tpu.memory_space<semaphore_mem>>) src(%dma_wait3A_40 : memref<80x128xf32, #tpu.memory_space<hbm>>) dst(%dma_wait3A_38 : memref<80x128xf32, #tpu.memory_space<vmem_shared>>)
      tpu.yield
    }) : () -> ()
    "tpu.region"() ({
      %run_scoped3A = tpu.sem_alloc : memref<!tpu.dma_semaphore, #tpu.memory_space<semaphore_mem>>
      %dma_start3A = arith.constant 0 : i32
      %dma_start3A_35 = arith.constant 0 : i32
      %dma_start3A_36 = tpu.memref_slice %arg7[%dma_start3A, %dma_start3A_35] : memref<10240x128xf32, #tpu.memory_space<hbm>> -> memref<40x128xf32, #tpu.memory_space<hbm>>
      %dma_start3A_37 = arith.constant 0 : i32
      %dma_start3A_38 = arith.constant 0 : i32
      %dma_start3A_39 = tpu.memref_slice %arg7[%dma_start3A_37, %dma_start3A_38] : memref<10240x128xf32, #tpu.memory_space<hbm>> -> memref<40x128xf32, #tpu.memory_space<hbm>>
      tpu.enqueue_dma source(%dma_start3A_39 : memref<40x128xf32, #tpu.memory_space<hbm>>) target(%arg17 : memref<40x128xf32, #tpu.memory_space<vmem>>) target_semaphore(%run_scoped3A : memref<!tpu.dma_semaphore, #tpu.memory_space<semaphore_mem>>)
      %dma_wait3A = arith.constant 0 : i32
      %dma_wait3A_40 = arith.constant 0 : i32
      %dma_wait3A_41 = tpu.memref_slice %arg7[%dma_wait3A, %dma_wait3A_40] : memref<10240x128xf32, #tpu.memory_space<hbm>> -> memref<40x128xf32, #tpu.memory_space<hbm>>
      %dma_wait3A_42 = arith.constant 0 : i32
      %dma_wait3A_43 = arith.constant 0 : i32
      %dma_wait3A_44 = tpu.memref_slice %arg7[%dma_wait3A_42, %dma_wait3A_43] : memref<10240x128xf32, #tpu.memory_space<hbm>> -> memref<40x128xf32, #tpu.memory_space<hbm>>
      tpu.wait_dma2 semaphore(%run_scoped3A : memref<!tpu.dma_semaphore, #tpu.memory_space<semaphore_mem>>) src(%dma_wait3A_44 : memref<40x128xf32, #tpu.memory_space<hbm>>) dst(%arg17 : memref<40x128xf32, #tpu.memory_space<vmem>>)
      tpu.yield
    }) : () -> ()
    %barrier3A = arith.constant 0 : index
    tpu.barrier barrier_id(%barrier3A)
    %iota3A = tpu.iota {dimensions = array<i32: 0>} : vector<16xi32>
    %broadcast_in_dim3A = arith.constant 0.000000e+00 : f32
    %broadcast_in_dim3A_9 = vector.broadcast %broadcast_in_dim3A : f32 to vector<16xf32>
    %xor3A = arith.constant 8 : i32
    %xor3A_10 = vector.broadcast %xor3A : i32 to vector<16xi32>
    %xor3A_11 = arith.xori %iota3A, %xor3A_10 : vector<16xi32>
    %xor3A_12 = arith.constant 4 : i32
    %xor3A_13 = vector.broadcast %xor3A_12 : i32 to vector<16xi32>
    %xor3A_14 = arith.xori %iota3A, %xor3A_13 : vector<16xi32>
    %xor3A_15 = arith.constant 2 : i32
    %xor3A_16 = vector.broadcast %xor3A_15 : i32 to vector<16xi32>
    %xor3A_17 = arith.xori %iota3A, %xor3A_16 : vector<16xi32>
    %xor3A_18 = arith.constant 1 : i32
    %xor3A_19 = vector.broadcast %xor3A_18 : i32 to vector<16xi32>
    %xor3A_20 = arith.xori %iota3A, %xor3A_19 : vector<16xi32>
    %scan3A = arith.constant 0 : i32
    %scan3A_21 = arith.constant 0 : i32
    %scan3A_22 = arith.constant 250 : i32
    %scan3A_23 = arith.addi %scan3A_21, %scan3A_22 : i32
    %scan3A_24 = arith.constant 1 : i32
    scf.for %scan3A_35 = %scan3A_21 to %scan3A_23 step %scan3A_24  : i32 {
      %mul3A_36 = arith.constant 10000 : i32
      %mul3A_37 = arith.muli %add3A, %mul3A_36 : i32
      %mul3A_38 = arith.constant 40 : i32
      %mul3A_39 = arith.muli %scan3A_35, %mul3A_38 : i32
      %add3A_40 = arith.addi %mul3A_37, %mul3A_39 : i32
      "tpu.region"() ({
        %run_scoped3A = tpu.sem_alloc : memref<!tpu.dma_semaphore, #tpu.memory_space<semaphore_mem>>
        %dma_start3A_247 = tpu.memref_slice %arg4[%add3A_40] : memref<320000xi32, #tpu.memory_space<hbm>> -> memref<40xi32, #tpu.memory_space<hbm>>
        %dma_start3A_248 = tpu.memref_slice %arg4[%add3A_40] : memref<320000xi32, #tpu.memory_space<hbm>> -> memref<40xi32, #tpu.memory_space<hbm>>
        tpu.enqueue_dma source(%dma_start3A_248 : memref<40xi32, #tpu.memory_space<hbm>>) target(%arg10 : memref<40xi32, #tpu.memory_space<vmem>>) target_semaphore(%run_scoped3A : memref<!tpu.dma_semaphore, #tpu.memory_space<semaphore_mem>>)
        %dma_wait3A_249 = tpu.memref_slice %arg4[%add3A_40] : memref<320000xi32, #tpu.memory_space<hbm>> -> memref<40xi32, #tpu.memory_space<hbm>>
        %dma_wait3A_250 = tpu.memref_slice %arg4[%add3A_40] : memref<320000xi32, #tpu.memory_space<hbm>> -> memref<40xi32, #tpu.memory_space<hbm>>
        tpu.wait_dma2 semaphore(%run_scoped3A : memref<!tpu.dma_semaphore, #tpu.memory_space<semaphore_mem>>) src(%dma_wait3A_250 : memref<40xi32, #tpu.memory_space<hbm>>) dst(%arg10 : memref<40xi32, #tpu.memory_space<vmem>>)
        tpu.yield
      }) : () -> ()
      "tpu.region"() ({
        %run_scoped3A = tpu.sem_alloc : memref<!tpu.dma_semaphore, #tpu.memory_space<semaphore_mem>>
        %dma_start3A_247 = tpu.memref_slice %arg5[%add3A_40] : memref<320000xi32, #tpu.memory_space<hbm>> -> memref<40xi32, #tpu.memory_space<hbm>>
        %dma_start3A_248 = tpu.memref_slice %arg5[%add3A_40] : memref<320000xi32, #tpu.memory_space<hbm>> -> memref<40xi32, #tpu.memory_space<hbm>>
        tpu.enqueue_dma source(%dma_start3A_248 : memref<40xi32, #tpu.memory_space<hbm>>) target(%arg11 : memref<40xi32, #tpu.memory_space<vmem>>) target_semaphore(%run_scoped3A : memref<!tpu.dma_semaphore, #tpu.memory_space<semaphore_mem>>)
        %dma_wait3A_249 = tpu.memref_slice %arg5[%add3A_40] : memref<320000xi32, #tpu.memory_space<hbm>> -> memref<40xi32, #tpu.memory_space<hbm>>
        %dma_wait3A_250 = tpu.memref_slice %arg5[%add3A_40] : memref<320000xi32, #tpu.memory_space<hbm>> -> memref<40xi32, #tpu.memory_space<hbm>>
        tpu.wait_dma2 semaphore(%run_scoped3A : memref<!tpu.dma_semaphore, #tpu.memory_space<semaphore_mem>>) src(%dma_wait3A_250 : memref<40xi32, #tpu.memory_space<hbm>>) dst(%arg11 : memref<40xi32, #tpu.memory_space<vmem>>)
        tpu.yield
      }) : () -> ()
      %dma_start3A = arith.constant 0 : i32
      %dma_start3A_41 = arith.constant 0 : i32
      %dma_start3A_42 = tpu.memref_slice %arg2[%dma_start3A, %dma_start3A_41] : memref<10000x128xf32, #tpu.memory_space<hbm>> -> memref<10000x128xf32, #tpu.memory_space<hbm>>
      tpu.enqueue_indirect_dma source(%dma_start3A_42 : memref<10000x128xf32, #tpu.memory_space<hbm>>) target(%arg13 : memref<40x128xf32, #tpu.memory_space<vmem>>) offsets(%arg11 : memref<40xi32, #tpu.memory_space<vmem>>) semaphore(%arg21 : memref<!tpu.dma_semaphore, #tpu.memory_space<semaphore_mem>>)
      %dma_start3A_43 = arith.constant 0 : i32
      %dma_start3A_44 = arith.constant 0 : i32
      %dma_start3A_45 = tpu.memref_slice %arg3[%dma_start3A_43, %dma_start3A_44] : memref<10000x256xf32, #tpu.memory_space<hbm>> -> memref<10000x256xf32, #tpu.memory_space<hbm>>
      tpu.enqueue_indirect_dma source(%dma_start3A_45 : memref<10000x256xf32, #tpu.memory_space<hbm>>) target(%arg14 : memref<40x256xf32, #tpu.memory_space<vmem>>) offsets(%arg10 : memref<40xi32, #tpu.memory_space<vmem>>) semaphore(%arg21 : memref<!tpu.dma_semaphore, #tpu.memory_space<semaphore_mem>>)
      "tpu.region"() ({
        %run_scoped3A = tpu.sem_alloc : memref<!tpu.dma_semaphore, #tpu.memory_space<semaphore_mem>>
        %dma_start3A_247 = arith.constant 0 : i32
        %dma_start3A_248 = tpu.memref_slice %arg6[%add3A_40, %dma_start3A_247] : memref<320000x128xf32, #tpu.memory_space<hbm>> -> memref<40x128xf32, #tpu.memory_space<hbm>>
        %dma_start3A_249 = arith.constant 0 : i32
        %dma_start3A_250 = tpu.memref_slice %arg6[%add3A_40, %dma_start3A_249] : memref<320000x128xf32, #tpu.memory_space<hbm>> -> memref<40x128xf32, #tpu.memory_space<hbm>>
        tpu.enqueue_dma source(%dma_start3A_250 : memref<40x128xf32, #tpu.memory_space<hbm>>) target(%arg15 : memref<40x128xf32, #tpu.memory_space<vmem>>) target_semaphore(%run_scoped3A : memref<!tpu.dma_semaphore, #tpu.memory_space<semaphore_mem>>)
        %dma_wait3A_251 = arith.constant 0 : i32
        %dma_wait3A_252 = tpu.memref_slice %arg6[%add3A_40, %dma_wait3A_251] : memref<320000x128xf32, #tpu.memory_space<hbm>> -> memref<40x128xf32, #tpu.memory_space<hbm>>
        %dma_wait3A_253 = arith.constant 0 : i32
        %dma_wait3A_254 = tpu.memref_slice %arg6[%add3A_40, %dma_wait3A_253] : memref<320000x128xf32, #tpu.memory_space<hbm>> -> memref<40x128xf32, #tpu.memory_space<hbm>>
        tpu.wait_dma2 semaphore(%run_scoped3A : memref<!tpu.dma_semaphore, #tpu.memory_space<semaphore_mem>>) src(%dma_wait3A_254 : memref<40x128xf32, #tpu.memory_space<hbm>>) dst(%arg15 : memref<40x128xf32, #tpu.memory_space<vmem>>)
        tpu.yield
      }) : () -> ()
      %get3A = arith.constant 0 : index
      %get3A_46 = tpu.vector_load %arg11[%get3A] {strides = array<i32>} : memref<40xi32, #tpu.memory_space<vmem>>, vector<16xi32>,
      %shift_right_logical3A = arith.constant 3 : i32
      %shift_right_logical3A_47 = vector.broadcast %shift_right_logical3A : i32 to vector<16xi32>
      %shift_right_logical3A_48 = arith.shrui %get3A_46, %shift_right_logical3A_47 : vector<16xi32>
      %swap3A = arith.constant 0 : index
      %swap3A_49 = tpu.vector_load %arg12[%swap3A] {strides = array<i32>} : memref<40xi32, #tpu.memory_space<vmem>>, vector<16xi32>,
      tpu.vector_store %arg12[%swap3A], %shift_right_logical3A_48 {strides = array<i32>} : memref<40xi32, #tpu.memory_space<vmem>>, vector<16xi32>,
      %get3A_50 = arith.constant 16 : index
      %get3A_51 = tpu.vector_load %arg11[%get3A_50] {strides = array<i32>} : memref<40xi32, #tpu.memory_space<vmem>>, vector<16xi32>,
      %shift_right_logical3A_52 = arith.constant 3 : i32
      %shift_right_logical3A_53 = vector.broadcast %shift_right_logical3A_52 : i32 to vector<16xi32>
      %shift_right_logical3A_54 = arith.shrui %get3A_51, %shift_right_logical3A_53 : vector<16xi32>
      %swap3A_55 = arith.constant 16 : index
      %swap3A_56 = tpu.vector_load %arg12[%swap3A_55] {strides = array<i32>} : memref<40xi32, #tpu.memory_space<vmem>>, vector<16xi32>,
      tpu.vector_store %arg12[%swap3A_55], %shift_right_logical3A_54 {strides = array<i32>} : memref<40xi32, #tpu.memory_space<vmem>>, vector<16xi32>,
      %get3A_57 = arith.constant 24 : index
      %get3A_58 = tpu.vector_load %arg11[%get3A_57] {strides = array<i32>} : memref<40xi32, #tpu.memory_space<vmem>>, vector<16xi32>,
      %shift_right_logical3A_59 = arith.constant 3 : i32
      %shift_right_logical3A_60 = vector.broadcast %shift_right_logical3A_59 : i32 to vector<16xi32>
      %shift_right_logical3A_61 = arith.shrui %get3A_58, %shift_right_logical3A_60 : vector<16xi32>
      %swap3A_62 = arith.constant 24 : index
      %swap3A_63 = tpu.vector_load %arg12[%swap3A_62] {strides = array<i32>} : memref<40xi32, #tpu.memory_space<vmem>>, vector<16xi32>,
      tpu.vector_store %arg12[%swap3A_62], %shift_right_logical3A_61 {strides = array<i32>} : memref<40xi32, #tpu.memory_space<vmem>>, vector<16xi32>,
      %dma_wait3A = arith.constant 0 : i32
      %dma_wait3A_64 = arith.constant 0 : i32
      %dma_wait3A_65 = tpu.memref_slice %arg2[%dma_wait3A, %dma_wait3A_64] : memref<10000x128xf32, #tpu.memory_space<hbm>> -> memref<10000x128xf32, #tpu.memory_space<hbm>>
      tpu.wait_indirect_dma semaphore(%arg21 : memref<!tpu.dma_semaphore, #tpu.memory_space<semaphore_mem>>) src(%dma_wait3A_65 : memref<10000x128xf32, #tpu.memory_space<hbm>>) dst(%arg13 : memref<40x128xf32, #tpu.memory_space<vmem>>)
      %dma_wait3A_66 = arith.constant 0 : i32
      %dma_wait3A_67 = arith.constant 0 : i32
      %dma_wait3A_68 = tpu.memref_slice %arg3[%dma_wait3A_66, %dma_wait3A_67] : memref<10000x256xf32, #tpu.memory_space<hbm>> -> memref<10000x256xf32, #tpu.memory_space<hbm>>
      tpu.wait_indirect_dma semaphore(%arg21 : memref<!tpu.dma_semaphore, #tpu.memory_space<semaphore_mem>>) src(%dma_wait3A_68 : memref<10000x256xf32, #tpu.memory_space<hbm>>) dst(%arg14 : memref<40x256xf32, #tpu.memory_space<vmem>>)
      %scan3A_69 = arith.constant 0 : i32
      %scan3A_70 = arith.constant 0 : i32
      %scan3A_71 = arith.constant 40 : i32
      %scan3A_72 = arith.addi %scan3A_70, %scan3A_71 : i32
      %scan3A_73 = arith.constant 1 : i32
      scf.for %scan3A_247 = %scan3A_70 to %scan3A_72 step %scan3A_73  : i32 {
        %get3A_248 = arith.index_cast %scan3A_247 : i32 to index
        %get3A_249 = arith.constant 0 : index
        %get3A_250 = tpu.vector_load %arg15[%get3A_248, %get3A_249] {strides = array<i32>} : memref<40x128xf32, #tpu.memory_space<vmem>>, vector<16xf32>,
        %get3A_251 = arith.index_cast %scan3A_247 : i32 to index
        %get3A_252 = arith.constant 16 : index
        %get3A_253 = tpu.vector_load %arg15[%get3A_251, %get3A_252] {strides = array<i32>} : memref<40x128xf32, #tpu.memory_space<vmem>>, vector<16xf32>,
        %get3A_254 = arith.index_cast %scan3A_247 : i32 to index
        %get3A_255 = arith.constant 0 : index
        %get3A_256 = tpu.vector_load %arg14[%get3A_254, %get3A_255] {strides = array<i32>} : memref<40x256xf32, #tpu.memory_space<vmem>>, vector<16xf32>,
        %add3A_257 = arith.addf %get3A_256, %get3A_250 : vector<16xf32>
        %get3A_258 = arith.index_cast %scan3A_247 : i32 to index
        %get3A_259 = arith.constant 16 : index
        %get3A_260 = tpu.vector_load %arg14[%get3A_258, %get3A_259] {strides = array<i32>} : memref<40x256xf32, #tpu.memory_space<vmem>>, vector<16xf32>,
        %add3A_261 = arith.addf %get3A_260, %get3A_253 : vector<16xf32>
        %get3A_262 = arith.index_cast %scan3A_247 : i32 to index
        %get3A_263 = arith.constant 0 : index
        %get3A_264 = tpu.vector_load %arg13[%get3A_262, %get3A_263] {strides = array<i32>} : memref<40x128xf32, #tpu.memory_space<vmem>>, vector<16xf32>,
        %mul3A_265 = arith.mulf %get3A_264, %add3A_257 : vector<16xf32>
        %get3A_266 = arith.index_cast %scan3A_247 : i32 to index
        %get3A_267 = arith.constant 16 : index
        %get3A_268 = tpu.vector_load %arg13[%get3A_266, %get3A_267] {strides = array<i32>} : memref<40x128xf32, #tpu.memory_space<vmem>>, vector<16xf32>,
        %mul3A_269 = arith.mulf %get3A_268, %add3A_261 : vector<16xf32>
        %add3A_270 = arith.addf %mul3A_265, %mul3A_269 : vector<16xf32>
        %broadcast_in_dim3A_271 = vector.shape_cast %xor3A_11 : vector<16xi32> to vector<16x1xi32>
        %gather3A_272 = vector.shape_cast %broadcast_in_dim3A_271 : vector<16x1xi32> to vector<16xi32>
        %gather3A_273 = tpu.dynamic_gather %add3A_270[%gather3A_272] in [0] : vector<16xf32>, vector<16xi32> -> vector<16xf32>
        %add3A_274 = arith.addf %add3A_270, %gather3A_273 : vector<16xf32>
        %broadcast_in_dim3A_275 = vector.shape_cast %xor3A_14 : vector<16xi32> to vector<16x1xi32>
        %gather3A_276 = vector.shape_cast %broadcast_in_dim3A_275 : vector<16x1xi32> to vector<16xi32>
        %gather3A_277 = tpu.dynamic_gather %add3A_274[%gather3A_276] in [0] : vector<16xf32>, vector<16xi32> -> vector<16xf32>
        %add3A_278 = arith.addf %add3A_274, %gather3A_277 : vector<16xf32>
        %broadcast_in_dim3A_279 = vector.shape_cast %xor3A_17 : vector<16xi32> to vector<16x1xi32>
        %gather3A_280 = vector.shape_cast %broadcast_in_dim3A_279 : vector<16x1xi32> to vector<16xi32>
        %gather3A_281 = tpu.dynamic_gather %add3A_278[%gather3A_280] in [0] : vector<16xf32>, vector<16xi32> -> vector<16xf32>
        %add3A_282 = arith.addf %add3A_278, %gather3A_281 : vector<16xf32>
        %broadcast_in_dim3A_283 = vector.shape_cast %xor3A_20 : vector<16xi32> to vector<16x1xi32>
        %gather3A_284 = vector.shape_cast %broadcast_in_dim3A_283 : vector<16x1xi32> to vector<16xi32>
        %gather3A_285 = tpu.dynamic_gather %add3A_282[%gather3A_284] in [0] : vector<16xf32>, vector<16xi32> -> vector<16xf32>
        %add3A_286 = arith.addf %add3A_282, %gather3A_285 : vector<16xf32>
        %mul3A_287 = arith.constant 0.176776692 : f32
        %mul3A_288 = vector.broadcast %mul3A_287 : f32 to vector<16xf32>
        %mul3A_289 = arith.mulf %add3A_286, %mul3A_288 : vector<16xf32>
        %exp3A = math.exp %mul3A_289 : vector<16xf32>
        %get3A_290 = arith.index_cast %scan3A_247 : i32 to index
        %get3A_291 = arith.constant 128 : index
        %get3A_292 = tpu.vector_load %arg14[%get3A_290, %get3A_291] {strides = array<i32>} : memref<40x256xf32, #tpu.memory_space<vmem>>, vector<16xf32>,
        %add3A_293 = arith.addf %get3A_292, %get3A_250 : vector<16xf32>
        %mul3A_294 = arith.mulf %exp3A, %add3A_293 : vector<16xf32>
        %swap3A_295 = arith.index_cast %scan3A_247 : i32 to index
        %swap3A_296 = arith.constant 0 : index
        %swap3A_297 = tpu.vector_load %arg16[%swap3A_295, %swap3A_296] {strides = array<i32>} : memref<40x128xf32, #tpu.memory_space<vmem>>, vector<16xf32>,
        tpu.vector_store %arg16[%swap3A_295, %swap3A_296], %mul3A_294 {strides = array<i32>} : memref<40x128xf32, #tpu.memory_space<vmem>>, vector<16xf32>,
        %get3A_298 = arith.index_cast %scan3A_247 : i32 to index
        %get3A_299 = arith.constant 144 : index
        %get3A_300 = tpu.vector_load %arg14[%get3A_298, %get3A_299] {strides = array<i32>} : memref<40x256xf32, #tpu.memory_space<vmem>>, vector<16xf32>,
        %add3A_301 = arith.addf %get3A_300, %get3A_253 : vector<16xf32>
        %mul3A_302 = arith.mulf %exp3A, %add3A_301 : vector<16xf32>
        %swap3A_303 = arith.index_cast %scan3A_247 : i32 to index
        %swap3A_304 = arith.constant 16 : index
        %swap3A_305 = tpu.vector_load %arg16[%swap3A_303, %swap3A_304] {strides = array<i32>} : memref<40x128xf32, #tpu.memory_space<vmem>>, vector<16xf32>,
        tpu.vector_store %arg16[%swap3A_303, %swap3A_304], %mul3A_302 {strides = array<i32>} : memref<40x128xf32, #tpu.memory_space<vmem>>, vector<16xf32>,
        %eq3A = arith.constant 0 : i32
        %eq3A_306 = vector.broadcast %eq3A : i32 to vector<16xi32>
        %eq3A_307 = arith.cmpi eq, %iota3A, %eq3A_306 : vector<16xi32>
        %jit3A = arith.constant 0.000000e+00 : f32
        %broadcast_in_dim3A_308 = vector.broadcast %jit3A : f32 to vector<16xf32>
        %select_n3A = arith.select %eq3A_307, %exp3A, %broadcast_in_dim3A_308 : vector<16xi1>, vector<16xf32>
        %add3A_309 = arith.addf %broadcast_in_dim3A_9, %select_n3A : vector<16xf32>
        %get3A_310 = arith.index_cast %scan3A_247 : i32 to index
        %get3A_311 = arith.constant 32 : index
        %get3A_312 = tpu.vector_load %arg15[%get3A_310, %get3A_311] {strides = array<i32>} : memref<40x128xf32, #tpu.memory_space<vmem>>, vector<16xf32>,
        %get3A_313 = arith.index_cast %scan3A_247 : i32 to index
        %get3A_314 = arith.constant 48 : index
        %get3A_315 = tpu.vector_load %arg15[%get3A_313, %get3A_314] {strides = array<i32>} : memref<40x128xf32, #tpu.memory_space<vmem>>, vector<16xf32>,
        %get3A_316 = arith.index_cast %scan3A_247 : i32 to index
        %get3A_317 = arith.constant 32 : index
        %get3A_318 = tpu.vector_load %arg14[%get3A_316, %get3A_317] {strides = array<i32>} : memref<40x256xf32, #tpu.memory_space<vmem>>, vector<16xf32>,
        %add3A_319 = arith.addf %get3A_318, %get3A_312 : vector<16xf32>
        %get3A_320 = arith.index_cast %scan3A_247 : i32 to index
        %get3A_321 = arith.constant 48 : index
        %get3A_322 = tpu.vector_load %arg14[%get3A_320, %get3A_321] {strides = array<i32>} : memref<40x256xf32, #tpu.memory_space<vmem>>, vector<16xf32>,
        %add3A_323 = arith.addf %get3A_322, %get3A_315 : vector<16xf32>
        %get3A_324 = arith.index_cast %scan3A_247 : i32 to index
        %get3A_325 = arith.constant 32 : index
        %get3A_326 = tpu.vector_load %arg13[%get3A_324, %get3A_325] {strides = array<i32>} : memref<40x128xf32, #tpu.memory_space<vmem>>, vector<16xf32>,
        %mul3A_327 = arith.mulf %get3A_326, %add3A_319 : vector<16xf32>
        %get3A_328 = arith.index_cast %scan3A_247 : i32 to index
        %get3A_329 = arith.constant 48 : index
        %get3A_330 = tpu.vector_load %arg13[%get3A_328, %get3A_329] {strides = array<i32>} : memref<40x128xf32, #tpu.memory_space<vmem>>, vector<16xf32>,
        %mul3A_331 = arith.mulf %get3A_330, %add3A_323 : vector<16xf32>
        %add3A_332 = arith.addf %mul3A_327, %mul3A_331 : vector<16xf32>
        %broadcast_in_dim3A_333 = vector.shape_cast %xor3A_11 : vector<16xi32> to vector<16x1xi32>
        %gather3A_334 = vector.shape_cast %broadcast_in_dim3A_333 : vector<16x1xi32> to vector<16xi32>
        %gather3A_335 = tpu.dynamic_gather %add3A_332[%gather3A_334] in [0] : vector<16xf32>, vector<16xi32> -> vector<16xf32>
        %add3A_336 = arith.addf %add3A_332, %gather3A_335 : vector<16xf32>
        %broadcast_in_dim3A_337 = vector.shape_cast %xor3A_14 : vector<16xi32> to vector<16x1xi32>
        %gather3A_338 = vector.shape_cast %broadcast_in_dim3A_337 : vector<16x1xi32> to vector<16xi32>
        %gather3A_339 = tpu.dynamic_gather %add3A_336[%gather3A_338] in [0] : vector<16xf32>, vector<16xi32> -> vector<16xf32>
        %add3A_340 = arith.addf %add3A_336, %gather3A_339 : vector<16xf32>
        %broadcast_in_dim3A_341 = vector.shape_cast %xor3A_17 : vector<16xi32> to vector<16x1xi32>
        %gather3A_342 = vector.shape_cast %broadcast_in_dim3A_341 : vector<16x1xi32> to vector<16xi32>
        %gather3A_343 = tpu.dynamic_gather %add3A_340[%gather3A_342] in [0] : vector<16xf32>, vector<16xi32> -> vector<16xf32>
        %add3A_344 = arith.addf %add3A_340, %gather3A_343 : vector<16xf32>
        %broadcast_in_dim3A_345 = vector.shape_cast %xor3A_20 : vector<16xi32> to vector<16x1xi32>
        %gather3A_346 = vector.shape_cast %broadcast_in_dim3A_345 : vector<16x1xi32> to vector<16xi32>
        %gather3A_347 = tpu.dynamic_gather %add3A_344[%gather3A_346] in [0] : vector<16xf32>, vector<16xi32> -> vector<16xf32>
        %add3A_348 = arith.addf %add3A_344, %gather3A_347 : vector<16xf32>
        %mul3A_349 = arith.constant 0.176776692 : f32
        %mul3A_350 = vector.broadcast %mul3A_349 : f32 to vector<16xf32>
        %mul3A_351 = arith.mulf %add3A_348, %mul3A_350 : vector<16xf32>
        %exp3A_352 = math.exp %mul3A_351 : vector<16xf32>
        %get3A_353 = arith.index_cast %scan3A_247 : i32 to index
        %get3A_354 = arith.constant 160 : index
        %get3A_355 = tpu.vector_load %arg14[%get3A_353, %get3A_354] {strides = array<i32>} : memref<40x256xf32, #tpu.memory_space<vmem>>, vector<16xf32>,
        %add3A_356 = arith.addf %get3A_355, %get3A_312 : vector<16xf32>
        %mul3A_357 = arith.mulf %exp3A_352, %add3A_356 : vector<16xf32>
        %swap3A_358 = arith.index_cast %scan3A_247 : i32 to index
        %swap3A_359 = arith.constant 32 : index
        %swap3A_360 = tpu.vector_load %arg16[%swap3A_358, %swap3A_359] {strides = array<i32>} : memref<40x128xf32, #tpu.memory_space<vmem>>, vector<16xf32>,
        tpu.vector_store %arg16[%swap3A_358, %swap3A_359], %mul3A_357 {strides = array<i32>} : memref<40x128xf32, #tpu.memory_space<vmem>>, vector<16xf32>,
        %get3A_361 = arith.index_cast %scan3A_247 : i32 to index
        %get3A_362 = arith.constant 176 : index
        %get3A_363 = tpu.vector_load %arg14[%get3A_361, %get3A_362] {strides = array<i32>} : memref<40x256xf32, #tpu.memory_space<vmem>>, vector<16xf32>,
        %add3A_364 = arith.addf %get3A_363, %get3A_315 : vector<16xf32>
        %mul3A_365 = arith.mulf %exp3A_352, %add3A_364 : vector<16xf32>
        %swap3A_366 = arith.index_cast %scan3A_247 : i32 to index
        %swap3A_367 = arith.constant 48 : index
        %swap3A_368 = tpu.vector_load %arg16[%swap3A_366, %swap3A_367] {strides = array<i32>} : memref<40x128xf32, #tpu.memory_space<vmem>>, vector<16xf32>,
        tpu.vector_store %arg16[%swap3A_366, %swap3A_367], %mul3A_365 {strides = array<i32>} : memref<40x128xf32, #tpu.memory_space<vmem>>, vector<16xf32>,
        %eq3A_369 = arith.constant 1 : i32
        %eq3A_370 = vector.broadcast %eq3A_369 : i32 to vector<16xi32>
        %eq3A_371 = arith.cmpi eq, %iota3A, %eq3A_370 : vector<16xi32>
        %jit3A_372 = arith.constant 0.000000e+00 : f32
        %broadcast_in_dim3A_373 = vector.broadcast %jit3A_372 : f32 to vector<16xf32>
        %select_n3A_374 = arith.select %eq3A_371, %exp3A_352, %broadcast_in_dim3A_373 : vector<16xi1>, vector<16xf32>
        %add3A_375 = arith.addf %add3A_309, %select_n3A_374 : vector<16xf32>
        %get3A_376 = arith.index_cast %scan3A_247 : i32 to index
        %get3A_377 = arith.constant 64 : index
        %get3A_378 = tpu.vector_load %arg15[%get3A_376, %get3A_377] {strides = array<i32>} : memref<40x128xf32, #tpu.memory_space<vmem>>, vector<16xf32>,
        %get3A_379 = arith.index_cast %scan3A_247 : i32 to index
        %get3A_380 = arith.constant 80 : index
        %get3A_381 = tpu.vector_load %arg15[%get3A_379, %get3A_380] {strides = array<i32>} : memref<40x128xf32, #tpu.memory_space<vmem>>, vector<16xf32>,
        %get3A_382 = arith.index_cast %scan3A_247 : i32 to index
        %get3A_383 = arith.constant 64 : index
        %get3A_384 = tpu.vector_load %arg14[%get3A_382, %get3A_383] {strides = array<i32>} : memref<40x256xf32, #tpu.memory_space<vmem>>, vector<16xf32>,
        %add3A_385 = arith.addf %get3A_384, %get3A_378 : vector<16xf32>
        %get3A_386 = arith.index_cast %scan3A_247 : i32 to index
        %get3A_387 = arith.constant 80 : index
        %get3A_388 = tpu.vector_load %arg14[%get3A_386, %get3A_387] {strides = array<i32>} : memref<40x256xf32, #tpu.memory_space<vmem>>, vector<16xf32>,
        %add3A_389 = arith.addf %get3A_388, %get3A_381 : vector<16xf32>
        %get3A_390 = arith.index_cast %scan3A_247 : i32 to index
        %get3A_391 = arith.constant 64 : index
        %get3A_392 = tpu.vector_load %arg13[%get3A_390, %get3A_391] {strides = array<i32>} : memref<40x128xf32, #tpu.memory_space<vmem>>, vector<16xf32>,
        %mul3A_393 = arith.mulf %get3A_392, %add3A_385 : vector<16xf32>
        %get3A_394 = arith.index_cast %scan3A_247 : i32 to index
        %get3A_395 = arith.constant 80 : index
        %get3A_396 = tpu.vector_load %arg13[%get3A_394, %get3A_395] {strides = array<i32>} : memref<40x128xf32, #tpu.memory_space<vmem>>, vector<16xf32>,
        %mul3A_397 = arith.mulf %get3A_396, %add3A_389 : vector<16xf32>
        %add3A_398 = arith.addf %mul3A_393, %mul3A_397 : vector<16xf32>
        %broadcast_in_dim3A_399 = vector.shape_cast %xor3A_11 : vector<16xi32> to vector<16x1xi32>
        %gather3A_400 = vector.shape_cast %broadcast_in_dim3A_399 : vector<16x1xi32> to vector<16xi32>
        %gather3A_401 = tpu.dynamic_gather %add3A_398[%gather3A_400] in [0] : vector<16xf32>, vector<16xi32> -> vector<16xf32>
        %add3A_402 = arith.addf %add3A_398, %gather3A_401 : vector<16xf32>
        %broadcast_in_dim3A_403 = vector.shape_cast %xor3A_14 : vector<16xi32> to vector<16x1xi32>
        %gather3A_404 = vector.shape_cast %broadcast_in_dim3A_403 : vector<16x1xi32> to vector<16xi32>
        %gather3A_405 = tpu.dynamic_gather %add3A_402[%gather3A_404] in [0] : vector<16xf32>, vector<16xi32> -> vector<16xf32>
        %add3A_406 = arith.addf %add3A_402, %gather3A_405 : vector<16xf32>
        %broadcast_in_dim3A_407 = vector.shape_cast %xor3A_17 : vector<16xi32> to vector<16x1xi32>
        %gather3A_408 = vector.shape_cast %broadcast_in_dim3A_407 : vector<16x1xi32> to vector<16xi32>
        %gather3A_409 = tpu.dynamic_gather %add3A_406[%gather3A_408] in [0] : vector<16xf32>, vector<16xi32> -> vector<16xf32>
        %add3A_410 = arith.addf %add3A_406, %gather3A_409 : vector<16xf32>
        %broadcast_in_dim3A_411 = vector.shape_cast %xor3A_20 : vector<16xi32> to vector<16x1xi32>
        %gather3A_412 = vector.shape_cast %broadcast_in_dim3A_411 : vector<16x1xi32> to vector<16xi32>
        %gather3A_413 = tpu.dynamic_gather %add3A_410[%gather3A_412] in [0] : vector<16xf32>, vector<16xi32> -> vector<16xf32>
        %add3A_414 = arith.addf %add3A_410, %gather3A_413 : vector<16xf32>
        %mul3A_415 = arith.constant 0.176776692 : f32
        %mul3A_416 = vector.broadcast %mul3A_415 : f32 to vector<16xf32>
        %mul3A_417 = arith.mulf %add3A_414, %mul3A_416 : vector<16xf32>
        %exp3A_418 = math.exp %mul3A_417 : vector<16xf32>
        %get3A_419 = arith.index_cast %scan3A_247 : i32 to index
        %get3A_420 = arith.constant 192 : index
        %get3A_421 = tpu.vector_load %arg14[%get3A_419, %get3A_420] {strides = array<i32>} : memref<40x256xf32, #tpu.memory_space<vmem>>, vector<16xf32>,
        %add3A_422 = arith.addf %get3A_421, %get3A_378 : vector<16xf32>
        %mul3A_423 = arith.mulf %exp3A_418, %add3A_422 : vector<16xf32>
        %swap3A_424 = arith.index_cast %scan3A_247 : i32 to index
        %swap3A_425 = arith.constant 64 : index
        %swap3A_426 = tpu.vector_load %arg16[%swap3A_424, %swap3A_425] {strides = array<i32>} : memref<40x128xf32, #tpu.memory_space<vmem>>, vector<16xf32>,
        tpu.vector_store %arg16[%swap3A_424, %swap3A_425], %mul3A_423 {strides = array<i32>} : memref<40x128xf32, #tpu.memory_space<vmem>>, vector<16xf32>,
        %get3A_427 = arith.index_cast %scan3A_247 : i32 to index
        %get3A_428 = arith.constant 208 : index
        %get3A_429 = tpu.vector_load %arg14[%get3A_427, %get3A_428] {strides = array<i32>} : memref<40x256xf32, #tpu.memory_space<vmem>>, vector<16xf32>,
        %add3A_430 = arith.addf %get3A_429, %get3A_381 : vector<16xf32>
        %mul3A_431 = arith.mulf %exp3A_418, %add3A_430 : vector<16xf32>
        %swap3A_432 = arith.index_cast %scan3A_247 : i32 to index
        %swap3A_433 = arith.constant 80 : index
        %swap3A_434 = tpu.vector_load %arg16[%swap3A_432, %swap3A_433] {strides = array<i32>} : memref<40x128xf32, #tpu.memory_space<vmem>>, vector<16xf32>,
        tpu.vector_store %arg16[%swap3A_432, %swap3A_433], %mul3A_431 {strides = array<i32>} : memref<40x128xf32, #tpu.memory_space<vmem>>, vector<16xf32>,
        %eq3A_435 = arith.constant 2 : i32
        %eq3A_436 = vector.broadcast %eq3A_435 : i32 to vector<16xi32>
        %eq3A_437 = arith.cmpi eq, %iota3A, %eq3A_436 : vector<16xi32>
        %jit3A_438 = arith.constant 0.000000e+00 : f32
        %broadcast_in_dim3A_439 = vector.broadcast %jit3A_438 : f32 to vector<16xf32>
        %select_n3A_440 = arith.select %eq3A_437, %exp3A_418, %broadcast_in_dim3A_439 : vector<16xi1>, vector<16xf32>
        %add3A_441 = arith.addf %add3A_375, %select_n3A_440 : vector<16xf32>
        %get3A_442 = arith.index_cast %scan3A_247 : i32 to index
        %get3A_443 = arith.constant 96 : index
        %get3A_444 = tpu.vector_load %arg15[%get3A_442, %get3A_443] {strides = array<i32>} : memref<40x128xf32, #tpu.memory_space<vmem>>, vector<16xf32>,
        %get3A_445 = arith.index_cast %scan3A_247 : i32 to index
        %get3A_446 = arith.constant 112 : index
        %get3A_447 = tpu.vector_load %arg15[%get3A_445, %get3A_446] {strides = array<i32>} : memref<40x128xf32, #tpu.memory_space<vmem>>, vector<16xf32>,
        %get3A_448 = arith.index_cast %scan3A_247 : i32 to index
        %get3A_449 = arith.constant 96 : index
        %get3A_450 = tpu.vector_load %arg14[%get3A_448, %get3A_449] {strides = array<i32>} : memref<40x256xf32, #tpu.memory_space<vmem>>, vector<16xf32>,
        %add3A_451 = arith.addf %get3A_450, %get3A_444 : vector<16xf32>
        %get3A_452 = arith.index_cast %scan3A_247 : i32 to index
        %get3A_453 = arith.constant 112 : index
        %get3A_454 = tpu.vector_load %arg14[%get3A_452, %get3A_453] {strides = array<i32>} : memref<40x256xf32, #tpu.memory_space<vmem>>, vector<16xf32>,
        %add3A_455 = arith.addf %get3A_454, %get3A_447 : vector<16xf32>
        %get3A_456 = arith.index_cast %scan3A_247 : i32 to index
        %get3A_457 = arith.constant 96 : index
        %get3A_458 = tpu.vector_load %arg13[%get3A_456, %get3A_457] {strides = array<i32>} : memref<40x128xf32, #tpu.memory_space<vmem>>, vector<16xf32>,
        %mul3A_459 = arith.mulf %get3A_458, %add3A_451 : vector<16xf32>
        %get3A_460 = arith.index_cast %scan3A_247 : i32 to index
        %get3A_461 = arith.constant 112 : index
        %get3A_462 = tpu.vector_load %arg13[%get3A_460, %get3A_461] {strides = array<i32>} : memref<40x128xf32, #tpu.memory_space<vmem>>, vector<16xf32>,
        %mul3A_463 = arith.mulf %get3A_462, %add3A_455 : vector<16xf32>
        %add3A_464 = arith.addf %mul3A_459, %mul3A_463 : vector<16xf32>
        %broadcast_in_dim3A_465 = vector.shape_cast %xor3A_11 : vector<16xi32> to vector<16x1xi32>
        %gather3A_466 = vector.shape_cast %broadcast_in_dim3A_465 : vector<16x1xi32> to vector<16xi32>
        %gather3A_467 = tpu.dynamic_gather %add3A_464[%gather3A_466] in [0] : vector<16xf32>, vector<16xi32> -> vector<16xf32>
        %add3A_468 = arith.addf %add3A_464, %gather3A_467 : vector<16xf32>
        %broadcast_in_dim3A_469 = vector.shape_cast %xor3A_14 : vector<16xi32> to vector<16x1xi32>
        %gather3A_470 = vector.shape_cast %broadcast_in_dim3A_469 : vector<16x1xi32> to vector<16xi32>
        %gather3A_471 = tpu.dynamic_gather %add3A_468[%gather3A_470] in [0] : vector<16xf32>, vector<16xi32> -> vector<16xf32>
        %add3A_472 = arith.addf %add3A_468, %gather3A_471 : vector<16xf32>
        %broadcast_in_dim3A_473 = vector.shape_cast %xor3A_17 : vector<16xi32> to vector<16x1xi32>
        %gather3A_474 = vector.shape_cast %broadcast_in_dim3A_473 : vector<16x1xi32> to vector<16xi32>
        %gather3A_475 = tpu.dynamic_gather %add3A_472[%gather3A_474] in [0] : vector<16xf32>, vector<16xi32> -> vector<16xf32>
        %add3A_476 = arith.addf %add3A_472, %gather3A_475 : vector<16xf32>
        %broadcast_in_dim3A_477 = vector.shape_cast %xor3A_20 : vector<16xi32> to vector<16x1xi32>
        %gather3A_478 = vector.shape_cast %broadcast_in_dim3A_477 : vector<16x1xi32> to vector<16xi32>
        %gather3A_479 = tpu.dynamic_gather %add3A_476[%gather3A_478] in [0] : vector<16xf32>, vector<16xi32> -> vector<16xf32>
        %add3A_480 = arith.addf %add3A_476, %gather3A_479 : vector<16xf32>
        %mul3A_481 = arith.constant 0.176776692 : f32
        %mul3A_482 = vector.broadcast %mul3A_481 : f32 to vector<16xf32>
        %mul3A_483 = arith.mulf %add3A_480, %mul3A_482 : vector<16xf32>
        %exp3A_484 = math.exp %mul3A_483 : vector<16xf32>
        %get3A_485 = arith.index_cast %scan3A_247 : i32 to index
        %get3A_486 = arith.constant 224 : index
        %get3A_487 = tpu.vector_load %arg14[%get3A_485, %get3A_486] {strides = array<i32>} : memref<40x256xf32, #tpu.memory_space<vmem>>, vector<16xf32>,
        %add3A_488 = arith.addf %get3A_487, %get3A_444 : vector<16xf32>
        %mul3A_489 = arith.mulf %exp3A_484, %add3A_488 : vector<16xf32>
        %swap3A_490 = arith.index_cast %scan3A_247 : i32 to index
        %swap3A_491 = arith.constant 96 : index
        %swap3A_492 = tpu.vector_load %arg16[%swap3A_490, %swap3A_491] {strides = array<i32>} : memref<40x128xf32, #tpu.memory_space<vmem>>, vector<16xf32>,
        tpu.vector_store %arg16[%swap3A_490, %swap3A_491], %mul3A_489 {strides = array<i32>} : memref<40x128xf32, #tpu.memory_space<vmem>>, vector<16xf32>,
        %get3A_493 = arith.index_cast %scan3A_247 : i32 to index
        %get3A_494 = arith.constant 240 : index
        %get3A_495 = tpu.vector_load %arg14[%get3A_493, %get3A_494] {strides = array<i32>} : memref<40x256xf32, #tpu.memory_space<vmem>>, vector<16xf32>,
        %add3A_496 = arith.addf %get3A_495, %get3A_447 : vector<16xf32>
        %mul3A_497 = arith.mulf %exp3A_484, %add3A_496 : vector<16xf32>
        %swap3A_498 = arith.index_cast %scan3A_247 : i32 to index
        %swap3A_499 = arith.constant 112 : index
        %swap3A_500 = tpu.vector_load %arg16[%swap3A_498, %swap3A_499] {strides = array<i32>} : memref<40x128xf32, #tpu.memory_space<vmem>>, vector<16xf32>,
        tpu.vector_store %arg16[%swap3A_498, %swap3A_499], %mul3A_497 {strides = array<i32>} : memref<40x128xf32, #tpu.memory_space<vmem>>, vector<16xf32>,
        %eq3A_501 = arith.constant 3 : i32
        %eq3A_502 = vector.broadcast %eq3A_501 : i32 to vector<16xi32>
        %eq3A_503 = arith.cmpi eq, %iota3A, %eq3A_502 : vector<16xi32>
        %jit3A_504 = arith.constant 0.000000e+00 : f32
        %broadcast_in_dim3A_505 = vector.broadcast %jit3A_504 : f32 to vector<16xf32>
        %select_n3A_506 = arith.select %eq3A_503, %exp3A_484, %broadcast_in_dim3A_505 : vector<16xi1>, vector<16xf32>
        %add3A_507 = arith.addf %add3A_441, %select_n3A_506 : vector<16xf32>
        %swap3A_508 = arith.index_cast %scan3A_247 : i32 to index
        %swap3A_509 = arith.constant 0 : index
        %swap3A_510 = tpu.vector_load %arg18[%swap3A_508, %swap3A_509] {strides = array<i32>} : memref<40x16xf32, #tpu.memory_space<vmem>>, vector<16xf32>,
        tpu.vector_store %arg18[%swap3A_508, %swap3A_509], %add3A_507 {strides = array<i32>} : memref<40x16xf32, #tpu.memory_space<vmem>>, vector<16xf32>,
      }
      %scan3A_74 = arith.constant 40 : i32
      %add3A_75 = arith.constant 0 : i32
      %add3A_76 = vector.broadcast %add3A_75 : i32 to vector<16xi32>
      %add3A_77 = arith.addi %add3A_76, %iota3A : vector<16xi32>
      %get3A_78 = arith.constant 0 : index
      %get3A_79 = tpu.vector_load %arg11[%get3A_78] {strides = array<i32>} : memref<40xi32, #tpu.memory_space<vmem>>, vector<16xi32>,
      %and3A = arith.constant 7 : i32
      %and3A_80 = vector.broadcast %and3A : i32 to vector<16xi32>
      %and3A_81 = arith.andi %get3A_79, %and3A_80 : vector<16xi32>
      %mul3A_82 = arith.constant 16 : i32
      %mul3A_83 = vector.broadcast %mul3A_82 : i32 to vector<16xi32>
      %mul3A_84 = arith.muli %and3A_81, %mul3A_83 : vector<16xi32>
      %broadcast_in_dim3A_85 = arith.constant 0 : i32
      %broadcast_in_dim3A_86 = vector.broadcast %broadcast_in_dim3A_85 : i32 to vector<16xi32>
      %gather3A = tpu.vector_load_idx %arg18[%add3A_77, %broadcast_in_dim3A_86] : memref<40x16xf32, #tpu.memory_space<vmem>>[vector<16xi32>, vector<16xi32>], vector<16xf32>,
      %add3A_87 = arith.constant 0 : i32
      %add3A_88 = vector.broadcast %add3A_87 : i32 to vector<16xi32>
      %add3A_89 = arith.addi %mul3A_84, %add3A_88 : vector<16xi32>
      tpu.vector_store_idx %arg17[%add3A_77, %add3A_89], %gather3A : memref<40x128xf32, #tpu.memory_space<vmem>>[vector<16xi32>, vector<16xi32>], vector<16xf32>,
      %broadcast_in_dim3A_90 = arith.constant 1 : i32
      %broadcast_in_dim3A_91 = vector.broadcast %broadcast_in_dim3A_90 : i32 to vector<16xi32>
      %gather3A_92 = tpu.vector_load_idx %arg18[%add3A_77, %broadcast_in_dim3A_91] : memref<40x16xf32, #tpu.memory_space<vmem>>[vector<16xi32>, vector<16xi32>], vector<16xf32>,
      %add3A_93 = arith.constant 1 : i32
      %add3A_94 = vector.broadcast %add3A_93 : i32 to vector<16xi32>
      %add3A_95 = arith.addi %mul3A_84, %add3A_94 : vector<16xi32>
      tpu.vector_store_idx %arg17[%add3A_77, %add3A_95], %gather3A_92 : memref<40x128xf32, #tpu.memory_space<vmem>>[vector<16xi32>, vector<16xi32>], vector<16xf32>,
      %broadcast_in_dim3A_96 = arith.constant 2 : i32
      %broadcast_in_dim3A_97 = vector.broadcast %broadcast_in_dim3A_96 : i32 to vector<16xi32>
      %gather3A_98 = tpu.vector_load_idx %arg18[%add3A_77, %broadcast_in_dim3A_97] : memref<40x16xf32, #tpu.memory_space<vmem>>[vector<16xi32>, vector<16xi32>], vector<16xf32>,
      %add3A_99 = arith.constant 2 : i32
      %add3A_100 = vector.broadcast %add3A_99 : i32 to vector<16xi32>
      %add3A_101 = arith.addi %mul3A_84, %add3A_100 : vector<16xi32>
      tpu.vector_store_idx %arg17[%add3A_77, %add3A_101], %gather3A_98 : memref<40x128xf32, #tpu.memory_space<vmem>>[vector<16xi32>, vector<16xi32>], vector<16xf32>,
      %broadcast_in_dim3A_102 = arith.constant 3 : i32
      %broadcast_in_dim3A_103 = vector.broadcast %broadcast_in_dim3A_102 : i32 to vector<16xi32>
      %gather3A_104 = tpu.vector_load_idx %arg18[%add3A_77, %broadcast_in_dim3A_103] : memref<40x16xf32, #tpu.memory_space<vmem>>[vector<16xi32>, vector<16xi32>], vector<16xf32>,
      %add3A_105 = arith.constant 3 : i32
      %add3A_106 = vector.broadcast %add3A_105 : i32 to vector<16xi32>
      %add3A_107 = arith.addi %mul3A_84, %add3A_106 : vector<16xi32>
      tpu.vector_store_idx %arg17[%add3A_77, %add3A_107], %gather3A_104 : memref<40x128xf32, #tpu.memory_space<vmem>>[vector<16xi32>, vector<16xi32>], vector<16xf32>,
      %add3A_108 = arith.constant 16 : i32
      %add3A_109 = vector.broadcast %add3A_108 : i32 to vector<16xi32>
      %add3A_110 = arith.addi %add3A_109, %iota3A : vector<16xi32>
      %get3A_111 = arith.constant 16 : index
      %get3A_112 = tpu.vector_load %arg11[%get3A_111] {strides = array<i32>} : memref<40xi32, #tpu.memory_space<vmem>>, vector<16xi32>,
      %and3A_113 = arith.constant 7 : i32
      %and3A_114 = vector.broadcast %and3A_113 : i32 to vector<16xi32>
      %and3A_115 = arith.andi %get3A_112, %and3A_114 : vector<16xi32>
      %mul3A_116 = arith.constant 16 : i32
      %mul3A_117 = vector.broadcast %mul3A_116 : i32 to vector<16xi32>
      %mul3A_118 = arith.muli %and3A_115, %mul3A_117 : vector<16xi32>
      %broadcast_in_dim3A_119 = arith.constant 0 : i32
      %broadcast_in_dim3A_120 = vector.broadcast %broadcast_in_dim3A_119 : i32 to vector<16xi32>
      %gather3A_121 = tpu.vector_load_idx %arg18[%add3A_110, %broadcast_in_dim3A_120] : memref<40x16xf32, #tpu.memory_space<vmem>>[vector<16xi32>, vector<16xi32>], vector<16xf32>,
      %add3A_122 = arith.constant 0 : i32
      %add3A_123 = vector.broadcast %add3A_122 : i32 to vector<16xi32>
      %add3A_124 = arith.addi %mul3A_118, %add3A_123 : vector<16xi32>
      tpu.vector_store_idx %arg17[%add3A_110, %add3A_124], %gather3A_121 : memref<40x128xf32, #tpu.memory_space<vmem>>[vector<16xi32>, vector<16xi32>], vector<16xf32>,
      %broadcast_in_dim3A_125 = arith.constant 1 : i32
      %broadcast_in_dim3A_126 = vector.broadcast %broadcast_in_dim3A_125 : i32 to vector<16xi32>
      %gather3A_127 = tpu.vector_load_idx %arg18[%add3A_110, %broadcast_in_dim3A_126] : memref<40x16xf32, #tpu.memory_space<vmem>>[vector<16xi32>, vector<16xi32>], vector<16xf32>,
      %add3A_128 = arith.constant 1 : i32
      %add3A_129 = vector.broadcast %add3A_128 : i32 to vector<16xi32>
      %add3A_130 = arith.addi %mul3A_118, %add3A_129 : vector<16xi32>
      tpu.vector_store_idx %arg17[%add3A_110, %add3A_130], %gather3A_127 : memref<40x128xf32, #tpu.memory_space<vmem>>[vector<16xi32>, vector<16xi32>], vector<16xf32>,
      %broadcast_in_dim3A_131 = arith.constant 2 : i32
      %broadcast_in_dim3A_132 = vector.broadcast %broadcast_in_dim3A_131 : i32 to vector<16xi32>
      %gather3A_133 = tpu.vector_load_idx %arg18[%add3A_110, %broadcast_in_dim3A_132] : memref<40x16xf32, #tpu.memory_space<vmem>>[vector<16xi32>, vector<16xi32>], vector<16xf32>,
      %add3A_134 = arith.constant 2 : i32
      %add3A_135 = vector.broadcast %add3A_134 : i32 to vector<16xi32>
      %add3A_136 = arith.addi %mul3A_118, %add3A_135 : vector<16xi32>
      tpu.vector_store_idx %arg17[%add3A_110, %add3A_136], %gather3A_133 : memref<40x128xf32, #tpu.memory_space<vmem>>[vector<16xi32>, vector<16xi32>], vector<16xf32>,
      %broadcast_in_dim3A_137 = arith.constant 3 : i32
      %broadcast_in_dim3A_138 = vector.broadcast %broadcast_in_dim3A_137 : i32 to vector<16xi32>
      %gather3A_139 = tpu.vector_load_idx %arg18[%add3A_110, %broadcast_in_dim3A_138] : memref<40x16xf32, #tpu.memory_space<vmem>>[vector<16xi32>, vector<16xi32>], vector<16xf32>,
      %add3A_140 = arith.constant 3 : i32
      %add3A_141 = vector.broadcast %add3A_140 : i32 to vector<16xi32>
      %add3A_142 = arith.addi %mul3A_118, %add3A_141 : vector<16xi32>
      tpu.vector_store_idx %arg17[%add3A_110, %add3A_142], %gather3A_139 : memref<40x128xf32, #tpu.memory_space<vmem>>[vector<16xi32>, vector<16xi32>], vector<16xf32>,
      %add3A_143 = arith.constant 24 : i32
      %add3A_144 = vector.broadcast %add3A_143 : i32 to vector<16xi32>
      %add3A_145 = arith.addi %add3A_144, %iota3A : vector<16xi32>
      %get3A_146 = arith.constant 24 : index
      %get3A_147 = tpu.vector_load %arg11[%get3A_146] {strides = array<i32>} : memref<40xi32, #tpu.memory_space<vmem>>, vector<16xi32>,
      %and3A_148 = arith.constant 7 : i32
      %and3A_149 = vector.broadcast %and3A_148 : i32 to vector<16xi32>
      %and3A_150 = arith.andi %get3A_147, %and3A_149 : vector<16xi32>
      %mul3A_151 = arith.constant 16 : i32
      %mul3A_152 = vector.broadcast %mul3A_151 : i32 to vector<16xi32>
      %mul3A_153 = arith.muli %and3A_150, %mul3A_152 : vector<16xi32>
      %broadcast_in_dim3A_154 = arith.constant 0 : i32
      %broadcast_in_dim3A_155 = vector.broadcast %broadcast_in_dim3A_154 : i32 to vector<16xi32>
      %gather3A_156 = tpu.vector_load_idx %arg18[%add3A_145, %broadcast_in_dim3A_155] : memref<40x16xf32, #tpu.memory_space<vmem>>[vector<16xi32>, vector<16xi32>], vector<16xf32>,
      %add3A_157 = arith.constant 0 : i32
      %add3A_158 = vector.broadcast %add3A_157 : i32 to vector<16xi32>
      %add3A_159 = arith.addi %mul3A_153, %add3A_158 : vector<16xi32>
      tpu.vector_store_idx %arg17[%add3A_145, %add3A_159], %gather3A_156 : memref<40x128xf32, #tpu.memory_space<vmem>>[vector<16xi32>, vector<16xi32>], vector<16xf32>,
      %broadcast_in_dim3A_160 = arith.constant 1 : i32
      %broadcast_in_dim3A_161 = vector.broadcast %broadcast_in_dim3A_160 : i32 to vector<16xi32>
      %gather3A_162 = tpu.vector_load_idx %arg18[%add3A_145, %broadcast_in_dim3A_161] : memref<40x16xf32, #tpu.memory_space<vmem>>[vector<16xi32>, vector<16xi32>], vector<16xf32>,
      %add3A_163 = arith.constant 1 : i32
      %add3A_164 = vector.broadcast %add3A_163 : i32 to vector<16xi32>
      %add3A_165 = arith.addi %mul3A_153, %add3A_164 : vector<16xi32>
      tpu.vector_store_idx %arg17[%add3A_145, %add3A_165], %gather3A_162 : memref<40x128xf32, #tpu.memory_space<vmem>>[vector<16xi32>, vector<16xi32>], vector<16xf32>,
      %broadcast_in_dim3A_166 = arith.constant 2 : i32
      %broadcast_in_dim3A_167 = vector.broadcast %broadcast_in_dim3A_166 : i32 to vector<16xi32>
      %gather3A_168 = tpu.vector_load_idx %arg18[%add3A_145, %broadcast_in_dim3A_167] : memref<40x16xf32, #tpu.memory_space<vmem>>[vector<16xi32>, vector<16xi32>], vector<16xf32>,
      %add3A_169 = arith.constant 2 : i32
      %add3A_170 = vector.broadcast %add3A_169 : i32 to vector<16xi32>
      %add3A_171 = arith.addi %mul3A_153, %add3A_170 : vector<16xi32>
      tpu.vector_store_idx %arg17[%add3A_145, %add3A_171], %gather3A_168 : memref<40x128xf32, #tpu.memory_space<vmem>>[vector<16xi32>, vector<16xi32>], vector<16xf32>,
      %broadcast_in_dim3A_172 = arith.constant 3 : i32
      %broadcast_in_dim3A_173 = vector.broadcast %broadcast_in_dim3A_172 : i32 to vector<16xi32>
      %gather3A_174 = tpu.vector_load_idx %arg18[%add3A_145, %broadcast_in_dim3A_173] : memref<40x16xf32, #tpu.memory_space<vmem>>[vector<16xi32>, vector<16xi32>], vector<16xf32>,
      %add3A_175 = arith.constant 3 : i32
      %add3A_176 = vector.broadcast %add3A_175 : i32 to vector<16xi32>
      %add3A_177 = arith.addi %mul3A_153, %add3A_176 : vector<16xi32>
      tpu.vector_store_idx %arg17[%add3A_145, %add3A_177], %gather3A_174 : memref<40x128xf32, #tpu.memory_space<vmem>>[vector<16xi32>, vector<16xi32>], vector<16xf32>,
      "tpu.region"() ({
        %run_scoped3A = tpu.sem_alloc : memref<!tpu.dma_semaphore, #tpu.memory_space<semaphore_mem>>
        %dma_start3A_247 = arith.constant 0 : i32
        %dma_start3A_248 = arith.constant 0 : i32
        %dma_start3A_249 = tpu.memref_slice %arg19[%dma_start3A_247, %dma_start3A_248] : memref<10240x128xf32, #tpu.memory_space<vmem_shared>> -> memref<10240x128xf32, #tpu.memory_space<vmem_shared>>
        tpu.enqueue_indirect_dma source(%arg16 : memref<40x128xf32, #tpu.memory_space<vmem>>) target(%dma_start3A_249 : memref<10240x128xf32, #tpu.memory_space<vmem_shared>>) offsets(%arg11 : memref<40xi32, #tpu.memory_space<vmem>>) semaphore(%run_scoped3A : memref<!tpu.dma_semaphore, #tpu.memory_space<semaphore_mem>>) {add = true}
        %dma_wait3A_250 = arith.constant 0 : i32
        %dma_wait3A_251 = arith.constant 0 : i32
        %dma_wait3A_252 = tpu.memref_slice %arg19[%dma_wait3A_250, %dma_wait3A_251] : memref<10240x128xf32, #tpu.memory_space<vmem_shared>> -> memref<10240x128xf32, #tpu.memory_space<vmem_shared>>
        tpu.wait_indirect_dma semaphore(%run_scoped3A : memref<!tpu.dma_semaphore, #tpu.memory_space<semaphore_mem>>) src(%arg16 : memref<40x128xf32, #tpu.memory_space<vmem>>) dst(%dma_wait3A_252 : memref<10240x128xf32, #tpu.memory_space<vmem_shared>>)
        tpu.yield
      }) : () -> ()
      "tpu.region"() ({
        %run_scoped3A = tpu.sem_alloc : memref<!tpu.dma_semaphore, #tpu.memory_space<semaphore_mem>>
        %dma_start3A_247 = arith.constant 0 : i32
        %dma_start3A_248 = arith.constant 0 : i32
        %dma_start3A_249 = tpu.memref_slice %arg20[%dma_start3A_247, %dma_start3A_248] : memref<1280x128xf32, #tpu.memory_space<vmem_shared>> -> memref<1280x128xf32, #tpu.memory_space<vmem_shared>>
        tpu.enqueue_indirect_dma source(%arg17 : memref<40x128xf32, #tpu.memory_space<vmem>>) target(%dma_start3A_249 : memref<1280x128xf32, #tpu.memory_space<vmem_shared>>) offsets(%arg12 : memref<40xi32, #tpu.memory_space<vmem>>) semaphore(%run_scoped3A : memref<!tpu.dma_semaphore, #tpu.memory_space<semaphore_mem>>) {add = true}
        %dma_wait3A_250 = arith.constant 0 : i32
        %dma_wait3A_251 = arith.constant 0 : i32
        %dma_wait3A_252 = tpu.memref_slice %arg20[%dma_wait3A_250, %dma_wait3A_251] : memref<1280x128xf32, #tpu.memory_space<vmem_shared>> -> memref<1280x128xf32, #tpu.memory_space<vmem_shared>>
        tpu.wait_indirect_dma semaphore(%run_scoped3A : memref<!tpu.dma_semaphore, #tpu.memory_space<semaphore_mem>>) src(%arg17 : memref<40x128xf32, #tpu.memory_space<vmem>>) dst(%dma_wait3A_252 : memref<1280x128xf32, #tpu.memory_space<vmem_shared>>)
        tpu.yield
      }) : () -> ()
      %add3A_178 = arith.constant 0 : i32
      %add3A_179 = vector.broadcast %add3A_178 : i32 to vector<16xi32>
      %add3A_180 = arith.addi %add3A_179, %iota3A : vector<16xi32>
      %get3A_181 = arith.constant 0 : index
      %get3A_182 = tpu.vector_load %arg11[%get3A_181] {strides = array<i32>} : memref<40xi32, #tpu.memory_space<vmem>>, vector<16xi32>,
      %and3A_183 = arith.constant 7 : i32
      %and3A_184 = vector.broadcast %and3A_183 : i32 to vector<16xi32>
      %and3A_185 = arith.andi %get3A_182, %and3A_184 : vector<16xi32>
      %mul3A_186 = arith.constant 16 : i32
      %mul3A_187 = vector.broadcast %mul3A_186 : i32 to vector<16xi32>
      %mul3A_188 = arith.muli %and3A_185, %mul3A_187 : vector<16xi32>
      %add3A_189 = arith.constant 0 : i32
      %add3A_190 = vector.broadcast %add3A_189 : i32 to vector<16xi32>
      %add3A_191 = arith.addi %mul3A_188, %add3A_190 : vector<16xi32>
      tpu.vector_store_idx %arg17[%add3A_180, %add3A_191], %broadcast_in_dim3A_9 : memref<40x128xf32, #tpu.memory_space<vmem>>[vector<16xi32>, vector<16xi32>], vector<16xf32>,
      %add3A_192 = arith.constant 1 : i32
      %add3A_193 = vector.broadcast %add3A_192 : i32 to vector<16xi32>
      %add3A_194 = arith.addi %mul3A_188, %add3A_193 : vector<16xi32>
      tpu.vector_store_idx %arg17[%add3A_180, %add3A_194], %broadcast_in_dim3A_9 : memref<40x128xf32, #tpu.memory_space<vmem>>[vector<16xi32>, vector<16xi32>], vector<16xf32>,
      %add3A_195 = arith.constant 2 : i32
      %add3A_196 = vector.broadcast %add3A_195 : i32 to vector<16xi32>
      %add3A_197 = arith.addi %mul3A_188, %add3A_196 : vector<16xi32>
      tpu.vector_store_idx %arg17[%add3A_180, %add3A_197], %broadcast_in_dim3A_9 : memref<40x128xf32, #tpu.memory_space<vmem>>[vector<16xi32>, vector<16xi32>], vector<16xf32>,
      %add3A_198 = arith.constant 3 : i32
      %add3A_199 = vector.broadcast %add3A_198 : i32 to vector<16xi32>
      %add3A_200 = arith.addi %mul3A_188, %add3A_199 : vector<16xi32>
      tpu.vector_store_idx %arg17[%add3A_180, %add3A_200], %broadcast_in_dim3A_9 : memref<40x128xf32, #tpu.memory_space<vmem>>[vector<16xi32>, vector<16xi32>], vector<16xf32>,
      %add3A_201 = arith.constant 16 : i32
      %add3A_202 = vector.broadcast %add3A_201 : i32 to vector<16xi32>
      %add3A_203 = arith.addi %add3A_202, %iota3A : vector<16xi32>
      %get3A_204 = arith.constant 16 : index
      %get3A_205 = tpu.vector_load %arg11[%get3A_204] {strides = array<i32>} : memref<40xi32, #tpu.memory_space<vmem>>, vector<16xi32>,
      %and3A_206 = arith.constant 7 : i32
      %and3A_207 = vector.broadcast %and3A_206 : i32 to vector<16xi32>
      %and3A_208 = arith.andi %get3A_205, %and3A_207 : vector<16xi32>
      %mul3A_209 = arith.constant 16 : i32
      %mul3A_210 = vector.broadcast %mul3A_209 : i32 to vector<16xi32>
      %mul3A_211 = arith.muli %and3A_208, %mul3A_210 : vector<16xi32>
      %add3A_212 = arith.constant 0 : i32
      %add3A_213 = vector.broadcast %add3A_212 : i32 to vector<16xi32>
      %add3A_214 = arith.addi %mul3A_211, %add3A_213 : vector<16xi32>
      tpu.vector_store_idx %arg17[%add3A_203, %add3A_214], %broadcast_in_dim3A_9 : memref<40x128xf32, #tpu.memory_space<vmem>>[vector<16xi32>, vector<16xi32>], vector<16xf32>,
      %add3A_215 = arith.constant 1 : i32
      %add3A_216 = vector.broadcast %add3A_215 : i32 to vector<16xi32>
      %add3A_217 = arith.addi %mul3A_211, %add3A_216 : vector<16xi32>
      tpu.vector_store_idx %arg17[%add3A_203, %add3A_217], %broadcast_in_dim3A_9 : memref<40x128xf32, #tpu.memory_space<vmem>>[vector<16xi32>, vector<16xi32>], vector<16xf32>,
      %add3A_218 = arith.constant 2 : i32
      %add3A_219 = vector.broadcast %add3A_218 : i32 to vector<16xi32>
      %add3A_220 = arith.addi %mul3A_211, %add3A_219 : vector<16xi32>
      tpu.vector_store_idx %arg17[%add3A_203, %add3A_220], %broadcast_in_dim3A_9 : memref<40x128xf32, #tpu.memory_space<vmem>>[vector<16xi32>, vector<16xi32>], vector<16xf32>,
      %add3A_221 = arith.constant 3 : i32
      %add3A_222 = vector.broadcast %add3A_221 : i32 to vector<16xi32>
      %add3A_223 = arith.addi %mul3A_211, %add3A_222 : vector<16xi32>
      tpu.vector_store_idx %arg17[%add3A_203, %add3A_223], %broadcast_in_dim3A_9 : memref<40x128xf32, #tpu.memory_space<vmem>>[vector<16xi32>, vector<16xi32>], vector<16xf32>,
      %add3A_224 = arith.constant 24 : i32
      %add3A_225 = vector.broadcast %add3A_224 : i32 to vector<16xi32>
      %add3A_226 = arith.addi %add3A_225, %iota3A : vector<16xi32>
      %get3A_227 = arith.constant 24 : index
      %get3A_228 = tpu.vector_load %arg11[%get3A_227] {strides = array<i32>} : memref<40xi32, #tpu.memory_space<vmem>>, vector<16xi32>,
      %and3A_229 = arith.constant 7 : i32
      %and3A_230 = vector.broadcast %and3A_229 : i32 to vector<16xi32>
      %and3A_231 = arith.andi %get3A_228, %and3A_230 : vector<16xi32>
      %mul3A_232 = arith.constant 16 : i32
      %mul3A_233 = vector.broadcast %mul3A_232 : i32 to vector<16xi32>
      %mul3A_234 = arith.muli %and3A_231, %mul3A_233 : vector<16xi32>
      %add3A_235 = arith.constant 0 : i32
      %add3A_236 = vector.broadcast %add3A_235 : i32 to vector<16xi32>
      %add3A_237 = arith.addi %mul3A_234, %add3A_236 : vector<16xi32>
      tpu.vector_store_idx %arg17[%add3A_226, %add3A_237], %broadcast_in_dim3A_9 : memref<40x128xf32, #tpu.memory_space<vmem>>[vector<16xi32>, vector<16xi32>], vector<16xf32>,
      %add3A_238 = arith.constant 1 : i32
      %add3A_239 = vector.broadcast %add3A_238 : i32 to vector<16xi32>
      %add3A_240 = arith.addi %mul3A_234, %add3A_239 : vector<16xi32>
      tpu.vector_store_idx %arg17[%add3A_226, %add3A_240], %broadcast_in_dim3A_9 : memref<40x128xf32, #tpu.memory_space<vmem>>[vector<16xi32>, vector<16xi32>], vector<16xf32>,
      %add3A_241 = arith.constant 2 : i32
      %add3A_242 = vector.broadcast %add3A_241 : i32 to vector<16xi32>
      %add3A_243 = arith.addi %mul3A_234, %add3A_242 : vector<16xi32>
      tpu.vector_store_idx %arg17[%add3A_226, %add3A_243], %broadcast_in_dim3A_9 : memref<40x128xf32, #tpu.memory_space<vmem>>[vector<16xi32>, vector<16xi32>], vector<16xf32>,
      %add3A_244 = arith.constant 3 : i32
      %add3A_245 = vector.broadcast %add3A_244 : i32 to vector<16xi32>
      %add3A_246 = arith.addi %mul3A_234, %add3A_245 : vector<16xi32>
      tpu.vector_store_idx %arg17[%add3A_226, %add3A_246], %broadcast_in_dim3A_9 : memref<40x128xf32, #tpu.memory_space<vmem>>[vector<16xi32>, vector<16xi32>], vector<16xf32>,
    }
    %scan3A_25 = arith.constant 250 : i32
    %barrier3A_26 = arith.constant 0 : index
    tpu.barrier barrier_id(%barrier3A_26)
    %mul3A_27 = arith.constant 640 : i32
    %mul3A_28 = arith.muli %arg1, %mul3A_27 : i32
    %mul3A_29 = arith.constant 640 : i32
    %mul3A_30 = arith.muli %arg1, %mul3A_29 : i32
    "tpu.region"() ({
      %run_scoped3A = tpu.sem_alloc : memref<!tpu.dma_semaphore, #tpu.memory_space<semaphore_mem>>
      %dma_start3A = arith.constant 0 : i32
      %dma_start3A_35 = tpu.memref_slice %arg8[%arg0, %mul3A_30, %dma_start3A] : memref<2x10240x128xf32, #tpu.memory_space<hbm>> -> memref<1x640x128xf32, #tpu.memory_space<hbm>>
      %dma_start3A_36 = tpu.memref_squeeze %dma_start3A_35 : memref<1x640x128xf32, #tpu.memory_space<hbm>> -> memref<640x128xf32, #tpu.memory_space<hbm>>
      %dma_start3A_37 = arith.constant 0 : i32
      %dma_start3A_38 = tpu.memref_slice %arg19[%mul3A_28, %dma_start3A_37] : memref<10240x128xf32, #tpu.memory_space<vmem_shared>> -> memref<640x128xf32, #tpu.memory_space<vmem_shared>>
      tpu.enqueue_dma source(%dma_start3A_38 : memref<640x128xf32, #tpu.memory_space<vmem_shared>>) target(%dma_start3A_36 : memref<640x128xf32, #tpu.memory_space<hbm>>) target_semaphore(%run_scoped3A : memref<!tpu.dma_semaphore, #tpu.memory_space<semaphore_mem>>)
      %dma_wait3A = arith.constant 0 : i32
      %dma_wait3A_39 = tpu.memref_slice %arg8[%arg0, %mul3A_30, %dma_wait3A] : memref<2x10240x128xf32, #tpu.memory_space<hbm>> -> memref<1x640x128xf32, #tpu.memory_space<hbm>>
      %dma_wait3A_40 = tpu.memref_squeeze %dma_wait3A_39 : memref<1x640x128xf32, #tpu.memory_space<hbm>> -> memref<640x128xf32, #tpu.memory_space<hbm>>
      %dma_wait3A_41 = arith.constant 0 : i32
      %dma_wait3A_42 = tpu.memref_slice %arg19[%mul3A_28, %dma_wait3A_41] : memref<10240x128xf32, #tpu.memory_space<vmem_shared>> -> memref<640x128xf32, #tpu.memory_space<vmem_shared>>
      tpu.wait_dma2 semaphore(%run_scoped3A : memref<!tpu.dma_semaphore, #tpu.memory_space<semaphore_mem>>) src(%dma_wait3A_42 : memref<640x128xf32, #tpu.memory_space<vmem_shared>>) dst(%dma_wait3A_40 : memref<640x128xf32, #tpu.memory_space<hbm>>)
      tpu.yield
    }) : () -> ()
    %mul3A_31 = arith.constant 80 : i32
    %mul3A_32 = arith.muli %arg1, %mul3A_31 : i32
    %mul3A_33 = arith.constant 80 : i32
    %mul3A_34 = arith.muli %arg1, %mul3A_33 : i32
    "tpu.region"() ({
      %run_scoped3A = tpu.sem_alloc : memref<!tpu.dma_semaphore, #tpu.memory_space<semaphore_mem>>
      %dma_start3A = arith.constant 0 : i32
      %dma_start3A_35 = tpu.memref_slice %arg9[%arg0, %mul3A_34, %dma_start3A] : memref<2x1280x128xf32, #tpu.memory_space<hbm>> -> memref<1x80x128xf32, #tpu.memory_space<hbm>>
      %dma_start3A_36 = tpu.memref_squeeze %dma_start3A_35 : memref<1x80x128xf32, #tpu.memory_space<hbm>> -> memref<80x128xf32, #tpu.memory_space<hbm>>
      %dma_start3A_37 = arith.constant 0 : i32
      %dma_start3A_38 = tpu.memref_slice %arg20[%mul3A_32, %dma_start3A_37] : memref<1280x128xf32, #tpu.memory_space<vmem_shared>> -> memref<80x128xf32, #tpu.memory_space<vmem_shared>>
      tpu.enqueue_dma source(%dma_start3A_38 : memref<80x128xf32, #tpu.memory_space<vmem_shared>>) target(%dma_start3A_36 : memref<80x128xf32, #tpu.memory_space<hbm>>) target_semaphore(%run_scoped3A : memref<!tpu.dma_semaphore, #tpu.memory_space<semaphore_mem>>)
      %dma_wait3A = arith.constant 0 : i32
      %dma_wait3A_39 = tpu.memref_slice %arg9[%arg0, %mul3A_34, %dma_wait3A] : memref<2x1280x128xf32, #tpu.memory_space<hbm>> -> memref<1x80x128xf32, #tpu.memory_space<hbm>>
      %dma_wait3A_40 = tpu.memref_squeeze %dma_wait3A_39 : memref<1x80x128xf32, #tpu.memory_space<hbm>> -> memref<80x128xf32, #tpu.memory_space<hbm>>
      %dma_wait3A_41 = arith.constant 0 : i32
      %dma_wait3A_42 = tpu.memref_slice %arg20[%mul3A_32, %dma_wait3A_41] : memref<1280x128xf32, #tpu.memory_space<vmem_shared>> -> memref<80x128xf32, #tpu.memory_space<vmem_shared>>
      tpu.wait_dma2 semaphore(%run_scoped3A : memref<!tpu.dma_semaphore, #tpu.memory_space<semaphore_mem>>) src(%dma_wait3A_42 : memref<80x128xf32, #tpu.memory_space<vmem_shared>>) dst(%dma_wait3A_40 : memref<80x128xf32, #tpu.memory_space<hbm>>)
      tpu.yield
    }) : () -> ()
    return
  }
}

module attributes {stable_mosaic.version = 14 : i64} {
  func.func @_qkvs_body(%arg0: i32, %arg1: memref<2000x128xf32, #tpu.memory_space<vmem>>, %arg2: memref<128x512xf32, #tpu.memory_space<vmem>>, %arg3: memref<1x128xf32, #tpu.memory_space<vmem>>, %arg4: memref<1x128xf32, #tpu.memory_space<vmem>>, %arg5: memref<2000x128xf32, #tpu.memory_space<vmem>>, %arg6: memref<2000x256xf32, #tpu.memory_space<vmem>>, %arg7: memref<2000x128xf32, #tpu.memory_space<vmem>>) attributes {dimension_semantics = [#tpu.dimension_semantics<arbitrary>], iteration_bounds = array<i64: 5>, scalar_prefetch = 0 : i64, scratch_operands = 0 : i64, tpu.core_type = #tpu.core_type<tc>, window_params = [{transform_indices = @transform_0, window_bounds = array<i64: 2000, 128>}, {pipeline_mode = #tpu.pipeline_mode<synchronous>, transform_indices = @transform_1, window_bounds = array<i64: 128, 512>}, {pipeline_mode = #tpu.pipeline_mode<synchronous>, transform_indices = @transform_2, window_bounds = array<i64: 1, 128>}, {pipeline_mode = #tpu.pipeline_mode<synchronous>, transform_indices = @transform_3, window_bounds = array<i64: 1, 128>}, {transform_indices = @transform_4, window_bounds = array<i64: 2000, 128>}, {transform_indices = @transform_5, window_bounds = array<i64: 2000, 256>}, {transform_indices = @transform_6, window_bounds = array<i64: 2000, 128>}]} {
    %get3A = arith.constant 0 : index
    %get3A_0 = arith.constant 0 : index
    %get3A_1 = vector.load %arg1[%get3A, %get3A_0] : memref<2000x128xf32, #tpu.memory_space<vmem>>, vector<2000x128xf32>
    %get3A_2 = arith.constant 0 : index
    %get3A_3 = arith.constant 0 : index
    %get3A_4 = vector.load %arg2[%get3A_2, %get3A_3] : memref<128x512xf32, #tpu.memory_space<vmem>>, vector<128x512xf32>
    %dot_general3A = arith.constant dense<0.000000e+00> : vector<2000x512xf32>
    %dot_general3A_5 = tpu.matmul %get3A_1, %get3A_4, %dot_general3A {dimension_numbers = #tpu.dot_dimension_numbers<[1], [0], [0], [1], [0, 0, 1, 1], [], []>, transpose_lhs_hint = false} : vector<2000x128xf32>, vector<128x512xf32>, vector<2000x512xf32> -> vector<2000x512xf32>
    %slice3A = vector.extract_strided_slice %dot_general3A_5 {offsets = [0, 0], sizes = [2000, 128], strides = [1, 1]} : vector<2000x512xf32> to vector<2000x128xf32>
    %get3A_6 = arith.constant 0 : index
    %get3A_7 = arith.constant 0 : index
    %get3A_8 = vector.load %arg3[%get3A_6, %get3A_7] : memref<1x128xf32, #tpu.memory_space<vmem>>, vector<1x128xf32>
    %add3A = vector.broadcast %get3A_8 : vector<1x128xf32> to vector<2000x128xf32>
    %add3A_9 = arith.addf %slice3A, %add3A : vector<2000x128xf32>
    %swap3A = arith.constant 0 : index
    %swap3A_10 = arith.constant 0 : index
    %swap3A_11 = vector.load %arg5[%swap3A, %swap3A_10] : memref<2000x128xf32, #tpu.memory_space<vmem>>, vector<2000x128xf32>
    tpu.vector_store %arg5[%swap3A, %swap3A_10], %add3A_9 {strides = array<i32>} : memref<2000x128xf32, #tpu.memory_space<vmem>>, vector<2000x128xf32>,
    %slice3A_12 = vector.extract_strided_slice %dot_general3A_5 {offsets = [0, 128], sizes = [2000, 256], strides = [1, 1]} : vector<2000x512xf32> to vector<2000x256xf32>
    %swap3A_13 = arith.constant 0 : index
    %swap3A_14 = arith.constant 0 : index
    %swap3A_15 = vector.load %arg6[%swap3A_13, %swap3A_14] : memref<2000x256xf32, #tpu.memory_space<vmem>>, vector<2000x256xf32>
    tpu.vector_store %arg6[%swap3A_13, %swap3A_14], %slice3A_12 {strides = array<i32>} : memref<2000x256xf32, #tpu.memory_space<vmem>>, vector<2000x256xf32>,
    %slice3A_16 = vector.extract_strided_slice %dot_general3A_5 {offsets = [0, 384], sizes = [2000, 128], strides = [1, 1]} : vector<2000x512xf32> to vector<2000x128xf32>
    %get3A_17 = arith.constant 0 : index
    %get3A_18 = arith.constant 0 : index
    %get3A_19 = vector.load %arg4[%get3A_17, %get3A_18] : memref<1x128xf32, #tpu.memory_space<vmem>>, vector<1x128xf32>
    %add3A_20 = vector.broadcast %get3A_19 : vector<1x128xf32> to vector<2000x128xf32>
    %add3A_21 = arith.addf %slice3A_16, %add3A_20 : vector<2000x128xf32>
    %swap3A_22 = arith.constant 0 : index
    %swap3A_23 = arith.constant 0 : index
    %swap3A_24 = vector.load %arg7[%swap3A_22, %swap3A_23] : memref<2000x128xf32, #tpu.memory_space<vmem>>, vector<2000x128xf32>
    tpu.vector_store %arg7[%swap3A_22, %swap3A_23], %add3A_21 {strides = array<i32>} : memref<2000x128xf32, #tpu.memory_space<vmem>>, vector<2000x128xf32>,
    return
  }
  func.func @transform_0(%arg0: i32) -> (i32, i32) {
    %c0_i32 = arith.constant 0 : i32
    %c0_i32_0 = arith.constant 0 : i32
    return %arg0, %c0_i32 : i32, i32
  }
  func.func @transform_1(%arg0: i32) -> (i32, i32) {
    %c0_i32 = arith.constant 0 : i32
    %c0_i32_0 = arith.constant 0 : i32
    %c0_i32_1 = arith.constant 0 : i32
    return %c0_i32, %c0_i32_0 : i32, i32
  }
  func.func @transform_2(%arg0: i32) -> (i32, i32) {
    %c0_i32 = arith.constant 0 : i32
    %c0_i32_0 = arith.constant 0 : i32
    %c0_i32_1 = arith.constant 0 : i32
    return %c0_i32, %c0_i32_0 : i32, i32
  }
  func.func @transform_3(%arg0: i32) -> (i32, i32) {
    %c0_i32 = arith.constant 0 : i32
    %c0_i32_0 = arith.constant 0 : i32
    %c0_i32_1 = arith.constant 0 : i32
    return %c0_i32, %c0_i32_0 : i32, i32
  }
  func.func @transform_4(%arg0: i32) -> (i32, i32) {
    %c0_i32 = arith.constant 0 : i32
    %c0_i32_0 = arith.constant 0 : i32
    return %arg0, %c0_i32 : i32, i32
  }
  func.func @transform_5(%arg0: i32) -> (i32, i32) {
    %c0_i32 = arith.constant 0 : i32
    %c0_i32_0 = arith.constant 0 : i32
    return %arg0, %c0_i32 : i32, i32
  }
  func.func @transform_6(%arg0: i32) -> (i32, i32) {
    %c0_i32 = arith.constant 0 : i32
    %c0_i32_0 = arith.constant 0 : i32
    return %arg0, %c0_i32 : i32, i32
  }
}

module attributes {stable_mosaic.version = 14 : i64} {
  func.func @_final_body(%arg0: i32, %arg1: memref<2x2000x128xf32, #tpu.memory_space<vmem>>, %arg2: memref<2x2000x16xf32, #tpu.memory_space<vmem>>, %arg3: memref<2000x128xf32, #tpu.memory_space<vmem>>, %arg4: memref<128x128xf32, #tpu.memory_space<vmem>>, %arg5: memref<128x128xf32, #tpu.memory_space<vmem>>, %arg6: memref<1x128xf32, #tpu.memory_space<vmem>>, %arg7: memref<16x128xf32, #tpu.memory_space<vmem>>, %arg8: memref<2000x128xf32, #tpu.memory_space<vmem>>) attributes {dimension_semantics = [#tpu.dimension_semantics<arbitrary>], iteration_bounds = array<i64: 5>, scalar_prefetch = 0 : i64, scratch_operands = 0 : i64, tpu.core_type = #tpu.core_type<tc>, window_params = [{transform_indices = @transform_0, window_bounds = array<i64: 2, 2000, 128>}, {transform_indices = @transform_1, window_bounds = array<i64: 2, 2000, 16>}, {transform_indices = @transform_2, window_bounds = array<i64: 2000, 128>}, {pipeline_mode = #tpu.pipeline_mode<synchronous>, transform_indices = @transform_3, window_bounds = array<i64: 128, 128>}, {pipeline_mode = #tpu.pipeline_mode<synchronous>, transform_indices = @transform_4, window_bounds = array<i64: 128, 128>}, {pipeline_mode = #tpu.pipeline_mode<synchronous>, transform_indices = @transform_5, window_bounds = array<i64: 1, 128>}, {pipeline_mode = #tpu.pipeline_mode<synchronous>, transform_indices = @transform_6, window_bounds = array<i64: 16, 128>}, {transform_indices = @transform_7, window_bounds = array<i64: 2000, 128>}]} {
    %get3A = arith.constant 0 : index
    %get3A_0 = arith.constant 0 : index
    %get3A_1 = arith.constant 0 : index
    %get3A_2 = vector.load %arg1[%get3A, %get3A_0, %get3A_1] : memref<2x2000x128xf32, #tpu.memory_space<vmem>>, vector<1x2000x128xf32>
    %get3A_3 = vector.shape_cast %get3A_2 : vector<1x2000x128xf32> to vector<2000x128xf32>
    %get3A_4 = arith.constant 1 : index
    %get3A_5 = arith.constant 0 : index
    %get3A_6 = arith.constant 0 : index
    %get3A_7 = vector.load %arg1[%get3A_4, %get3A_5, %get3A_6] : memref<2x2000x128xf32, #tpu.memory_space<vmem>>, vector<1x2000x128xf32>
    %get3A_8 = vector.shape_cast %get3A_7 : vector<1x2000x128xf32> to vector<2000x128xf32>
    %add3A = arith.addf %get3A_3, %get3A_8 : vector<2000x128xf32>
    %get3A_9 = arith.constant 0 : index
    %get3A_10 = arith.constant 0 : index
    %get3A_11 = arith.constant 0 : index
    %get3A_12 = vector.load %arg2[%get3A_9, %get3A_10, %get3A_11] : memref<2x2000x16xf32, #tpu.memory_space<vmem>>, vector<1x2000x16xf32>
    %get3A_13 = vector.shape_cast %get3A_12 : vector<1x2000x16xf32> to vector<2000x16xf32>
    %get3A_14 = arith.constant 1 : index
    %get3A_15 = arith.constant 0 : index
    %get3A_16 = arith.constant 0 : index
    %get3A_17 = vector.load %arg2[%get3A_14, %get3A_15, %get3A_16] : memref<2x2000x16xf32, #tpu.memory_space<vmem>>, vector<1x2000x16xf32>
    %get3A_18 = vector.shape_cast %get3A_17 : vector<1x2000x16xf32> to vector<2000x16xf32>
    %add3A_19 = arith.addf %get3A_13, %get3A_18 : vector<2000x16xf32>
    %get3A_20 = arith.constant 0 : index
    %get3A_21 = arith.constant 0 : index
    %get3A_22 = vector.load %arg7[%get3A_20, %get3A_21] : memref<16x128xf32, #tpu.memory_space<vmem>>, vector<16x128xf32>
    %dot_general3A = arith.constant dense<0.000000e+00> : vector<2000x128xf32>
    %dot_general3A_23 = tpu.matmul %add3A_19, %get3A_22, %dot_general3A {dimension_numbers = #tpu.dot_dimension_numbers<[1], [0], [0], [1], [0, 0, 1, 1], [], []>, transpose_lhs_hint = false} : vector<2000x16xf32>, vector<16x128xf32>, vector<2000x128xf32> -> vector<2000x128xf32>
    %add3A_24 = arith.constant 1.000000e-16 : f32
    %add3A_25 = vector.broadcast %add3A_24 : f32 to vector<2000x128xf32>
    %add3A_26 = arith.addf %dot_general3A_23, %add3A_25 : vector<2000x128xf32>
    %div3A = arith.divf %add3A, %add3A_26 : vector<2000x128xf32>
    %get3A_27 = arith.constant 0 : index
    %get3A_28 = arith.constant 0 : index
    %get3A_29 = vector.load %arg3[%get3A_27, %get3A_28] : memref<2000x128xf32, #tpu.memory_space<vmem>>, vector<2000x128xf32>
    %get3A_30 = arith.constant 0 : index
    %get3A_31 = arith.constant 0 : index
    %get3A_32 = vector.load %arg4[%get3A_30, %get3A_31] : memref<128x128xf32, #tpu.memory_space<vmem>>, vector<128x128xf32>
    %dot_general3A_33 = arith.constant dense<0.000000e+00> : vector<2000x128xf32>
    %dot_general3A_34 = tpu.matmul %div3A, %get3A_32, %dot_general3A_33 {dimension_numbers = #tpu.dot_dimension_numbers<[1], [0], [0], [1], [0, 0, 1, 1], [], []>, transpose_lhs_hint = false} : vector<2000x128xf32>, vector<128x128xf32>, vector<2000x128xf32> -> vector<2000x128xf32>
    %get3A_35 = arith.constant 0 : index
    %get3A_36 = arith.constant 0 : index
    %get3A_37 = vector.load %arg5[%get3A_35, %get3A_36] : memref<128x128xf32, #tpu.memory_space<vmem>>, vector<128x128xf32>
    %dot_general3A_38 = arith.constant dense<0.000000e+00> : vector<2000x128xf32>
    %dot_general3A_39 = tpu.matmul %get3A_29, %get3A_37, %dot_general3A_38 {dimension_numbers = #tpu.dot_dimension_numbers<[1], [0], [0], [1], [0, 0, 1, 1], [], []>, transpose_lhs_hint = false} : vector<2000x128xf32>, vector<128x128xf32>, vector<2000x128xf32> -> vector<2000x128xf32>
    %add3A_40 = arith.addf %dot_general3A_34, %dot_general3A_39 : vector<2000x128xf32>
    %get3A_41 = arith.constant 0 : index
    %get3A_42 = arith.constant 0 : index
    %get3A_43 = vector.load %arg6[%get3A_41, %get3A_42] : memref<1x128xf32, #tpu.memory_space<vmem>>, vector<1x128xf32>
    %add3A_44 = vector.broadcast %get3A_43 : vector<1x128xf32> to vector<2000x128xf32>
    %add3A_45 = arith.addf %add3A_40, %add3A_44 : vector<2000x128xf32>
    %logistic3A = arith.negf %add3A_45 : vector<2000x128xf32>
    %logistic3A_46 = math.exp %logistic3A : vector<2000x128xf32>
    %logistic3A_47 = arith.constant 1.000000e+00 : f32
    %logistic3A_48 = vector.broadcast %logistic3A_47 : f32 to vector<2000x128xf32>
    %logistic3A_49 = arith.addf %logistic3A_48, %logistic3A_46 : vector<2000x128xf32>
    %logistic3A_50 = arith.divf %logistic3A_48, %logistic3A_49 : vector<2000x128xf32>
    %mul3A = arith.mulf %logistic3A_50, %get3A_29 : vector<2000x128xf32>
    %sub3A = arith.constant 1.000000e+00 : f32
    %sub3A_51 = vector.broadcast %sub3A : f32 to vector<2000x128xf32>
    %sub3A_52 = arith.subf %sub3A_51, %logistic3A_50 : vector<2000x128xf32>
    %mul3A_53 = arith.mulf %sub3A_52, %div3A : vector<2000x128xf32>
    %add3A_54 = arith.addf %mul3A, %mul3A_53 : vector<2000x128xf32>
    %swap3A = arith.constant 0 : index
    %swap3A_55 = arith.constant 0 : index
    %swap3A_56 = vector.load %arg8[%swap3A, %swap3A_55] : memref<2000x128xf32, #tpu.memory_space<vmem>>, vector<2000x128xf32>
    tpu.vector_store %arg8[%swap3A, %swap3A_55], %add3A_54 {strides = array<i32>} : memref<2000x128xf32, #tpu.memory_space<vmem>>, vector<2000x128xf32>,
    return
  }
  func.func @transform_0(%arg0: i32) -> (i32, i32, i32) {
    %c0_i32 = arith.constant 0 : i32
    %c0_i32_0 = arith.constant 0 : i32
    %c0_i32_1 = arith.constant 0 : i32
    return %c0_i32, %arg0, %c0_i32_0 : i32, i32, i32
  }
  func.func @transform_1(%arg0: i32) -> (i32, i32, i32) {
    %c0_i32 = arith.constant 0 : i32
    %c0_i32_0 = arith.constant 0 : i32
    %c0_i32_1 = arith.constant 0 : i32
    return %c0_i32, %arg0, %c0_i32_0 : i32, i32, i32
  }
  func.func @transform_2(%arg0: i32) -> (i32, i32) {
    %c0_i32 = arith.constant 0 : i32
    %c0_i32_0 = arith.constant 0 : i32
    return %arg0, %c0_i32 : i32, i32
  }
  func.func @transform_3(%arg0: i32) -> (i32, i32) {
    %c0_i32 = arith.constant 0 : i32
    %c0_i32_0 = arith.constant 0 : i32
    %c0_i32_1 = arith.constant 0 : i32
    return %c0_i32, %c0_i32_0 : i32, i32
  }
  func.func @transform_4(%arg0: i32) -> (i32, i32) {
    %c0_i32 = arith.constant 0 : i32
    %c0_i32_0 = arith.constant 0 : i32
    %c0_i32_1 = arith.constant 0 : i32
    return %c0_i32, %c0_i32_0 : i32, i32
  }
  func.func @transform_5(%arg0: i32) -> (i32, i32) {
    %c0_i32 = arith.constant 0 : i32
    %c0_i32_0 = arith.constant 0 : i32
    %c0_i32_1 = arith.constant 0 : i32
    return %c0_i32, %c0_i32_0 : i32, i32
  }
  func.func @transform_6(%arg0: i32) -> (i32, i32) {
    %c0_i32 = arith.constant 0 : i32
    %c0_i32_0 = arith.constant 0 : i32
    %c0_i32_1 = arith.constant 0 : i32
    return %c0_i32, %c0_i32_0 : i32, i32
  }
  func.func @transform_7(%arg0: i32) -> (i32, i32) {
    %c0_i32 = arith.constant 0 : i32
    %c0_i32_0 = arith.constant 0 : i32
    return %arg0, %c0_i32 : i32, i32
  }
}

</mosaic_0001>

<sc_bundles>
// kernel: kernel.5.cloned.1.call-start
scs
__scs_entry_jumppad:
0x0: {  	(pc) =	sbr.rel $0x88, $3  }
0x1: {  	(tag) =	ssettag $0x0;
	lr =	simm.s32 $0x1  }
0x2: {  	[smem:$0x3F96] =	sst lr;
	_ =	strace $0xD0000000  }
0x3: {  	_ = 	snop  }
0x4: {  	_ = 	snop  }
0x5: {  	_ = 	snop  }
0x6: {  	_ = 	snop  }
0x7: {  	_ = 	snop  }
__scs_overlays_trampoline_lowered:
0x8: {  	[smem:$0x3FA5] =	sst s0  }
0x9: {  	[smem:$0x3FA6] =	sst s1  }
0xa: {  	[smem:$0x3FA7] =	sst s2  }
0xb: {  	[smem:$0x3FA8] =	sst s3  }
0xc: {  	[smem:$0x3FA9] =	sst s4  }
0xd: {  	[smem:$0x3FAA] =	sst s5  }
0xe: {  	[smem:$0x3FAB] =	sst s6  }
0xf: {  	[smem:$0x3FAC] =	sst s7  }
0x10: {  	[smem:$0x3FAD] =	sst s8  }
0x11: {  	[smem:$0x3FAE] =	sst s9;
	s0 =	simm.s32 @!p0 $0x0  }
0x12: {  	s1 =	sld [smem:$0x3F94];
	s0 =	simm.s32 @p0 $0x1  }
0x13: {  	[smem:$0x3FAF] =	sst s0;
	s0 =	simm.s32 @!p1 $0x0  }
0x14: {  	s2 =	sld [smem:$0x3F93];
	s0 =	simm.s32 @p1 $0x1  }
0x15: {  	[smem:$0x3FB0] =	sst s0;
	s0 =	simm.s32 @!p2 $0x0  }
0x16: {  	s3 =	sld [smem:$0x3FDB];
	s0 =	simm.s32 @p2 $0x1  }
0x17: {  	s4 =	simm.s32 $0x1BF5;
	[smem:$0x3FB2] =	sst s0  }
0x18: {  	s0 =	sld [smem:$0x3F95];
	_ =	swait.ge [sflag:s4], $0x0  }
0x19: {  	s7 =	sld [smem:$0x3F96]  }
0x1a: {  	s8 =	sadd.s32 $0xFFFFE003, lr  }
0x1b: {  	s9 =	sadd.s32 $0xFFFFFEF7, lr;
	s5 =	simm.s32 $0xFFFFFFFF;
	p2 =	slt.u32 s8, $0xFFFFF086  }
0x1c: {  	p1 =	slt.u32 s9, $0xF7A;
	s5 =	simm.s32 @!p2 $0x0  }
0x1d: {  	s5 =	simm.s32 @p1 $0x1;
	p0 =	seq.s32 s7, s2  }
0x1e: {  	s7 =	smul.u32 @!p0 $0xF7A, s2;
	p2 =	seq.s32 @!p0 s5, $0x0  }
0x1f: {  	s9 =	smul.u32 $0xF7A, s1;
	s8 =	simm.s32 @!p0 $0x1BF5;
	p2 =	por !p2, p0  }
0x20: {  	[sflag:s8] =	ssyncset.s32 @!p0 $0xFFFFF086;
	s6 =	sadd.s32 @!p0 s3, s7;
	s7 =	simm.s32 @!p0 $0x108  }
0x21: {  	s3 =	sadd.s32 s3, s9;
	s6 =	sadd.s32 @!p0 $0x88, s6;
	s7 =	simm.s32 @p2 $0x1082  }
0x22: {  	[simem:s7], [sflag:s8] =	dma.local @!p0 [hbm:s6], $0xF7A  }
0x23: {  	s9 =	sor.u32 $0xD0000000, s2;
	s6 =	simm.s32 $0x108;
	_ =	swait.ge @!p0 [sflag:s8], $0x0  }
0x24: {  	s3 =	sadd.s32 $0x88, s3;
	s6 =	simm.s32 @!p1 $0x1082;
	[sflag:s4] =	ssyncset.s32 $0xFFFFF086  }
0x25: {  	[simem:s6], [sflag:s4] =	dma.local [hbm:s3], $0xF7A  }
0x26: {  	[smem:$0x3F96] =	sst s1;
	(tag) =	ssettag s2;
	_ =	strace s9  }
0x27: {  	s1 =	sld [smem:$0x3FA6]  }
0x28: {  	s2 =	sld [smem:$0x3FA7]  }
0x29: {  	s4 =	sld [smem:$0x3FA9]  }
0x2a: {  	p0 =	seq.s32 s5, $0x0;
	s5 =	sld [smem:$0x3FAA]  }
0x2b: {  	s6 =	sld [smem:$0x3FAB]  }
0x2c: {  	s7 =	sld [smem:$0x3FAC]  }
0x2d: {  	s3 =	simm.s32 $0x108;
	s8 =	sld [smem:$0x3FAD]  }
0x2e: {  	s3 =	simm.s32 @!p0 $0x1082;
	s9 =	sld [smem:$0x3FAE]  }
0x2f: {  	lr =	sadd.s32 s0, s3;
	s0 =	sld [smem:$0x3FA5]  }
0x30: {  	s3 =	sld [smem:$0x3FA8]  }
0x31: {  	[smem:$0x3FB1] =	sst s10  }
0x32: {  	s10 =	sld [smem:$0x3FAF];
	_ =	sdelay $0x3  }
0x33: {  	p0 =	seq.s32 s10, $0x1;
	s10 =	sld [smem:$0x3FB1];
	_ =	sdelay $0x3  }
0x34: {  	[smem:$0x3FB1] =	sst s10  }
0x35: {  	s10 =	sld [smem:$0x3FB0];
	_ =	sdelay $0x3  }
0x36: {  	p1 =	seq.s32 s10, $0x1;
	s10 =	sld [smem:$0x3FB1];
	_ =	sdelay $0x3  }
0x37: {  	[smem:$0x3FB1] =	sst s10  }
0x38: {  	s10 =	sld [smem:$0x3FB2]  }
0x39: {  	_ = 	snop;
	(pc) =	sbr.ind lr, $3  }
0x3a: {  	_ = 	snop  }
0x3b: {  	_ = 	snop  }
0x3c: {  	p2 =	seq.s32 s10, $0x1;
	s10 =	sld [smem:$0x3FB1]  }
0x3d: {  	_ =	shalt  }
0x3e: {  	_ =	shalt  }
0x3f: {  	_ =	shalt  }
0x40: {  	_ =	shalt  }
0x41: {  	_ =	shalt  }
0x42: {  	_ =	shalt  }
0x43: {  	_ =	shalt  }
0x44: {  	_ =	shalt  }
0x45: {  	_ =	shalt  }
0x46: {  	_ =	shalt  }
0x47: {  	_ =	shalt  }
0x48: {  	_ =	shalt  }
0x49: {  	_ =	shalt  }
0x4a: {  	_ =	shalt  }
0x4b: {  	_ =	shalt  }
0x4c: {  	_ =	shalt  }
0x4d: {  	_ =	shalt  }
0x4e: {  	_ =	shalt  }
0x4f: {  	_ =	shalt  }
0x50: {  	_ =	shalt  }
0x51: {  	_ =	shalt  }
0x52: {  	_ =	shalt  }
0x53: {  	_ =	shalt  }
0x54: {  	_ =	shalt  }
0x55: {  	_ =	shalt  }
0x56: {  	_ =	shalt  }
0x57: {  	_ =	shalt  }
0x58: {  	_ =	shalt  }
0x59: {  	_ =	shalt  }
0x5a: {  	_ =	shalt  }
0x5b: {  	_ =	shalt  }
0x5c: {  	_ =	shalt  }
0x5d: {  	_ =	shalt  }
0x5e: {  	_ =	shalt  }
0x5f: {  	_ =	shalt  }
0x60: {  	_ =	shalt  }
0x61: {  	_ =	shalt  }
0x62: {  	_ =	shalt  }
0x63: {  	_ =	shalt  }
0x64: {  	_ =	shalt  }
0x65: {  	_ =	shalt  }
0x66: {  	_ =	shalt  }
0x67: {  	_ =	shalt  }
0x68: {  	_ =	shalt  }
0x69: {  	_ =	shalt  }
0x6a: {  	_ =	shalt  }
0x6b: {  	_ =	shalt  }
0x6c: {  	_ =	shalt  }
0x6d: {  	_ =	shalt  }
0x6e: {  	_ =	shalt  }
0x6f: {  	_ =	shalt  }
0x70: {  	_ =	shalt  }
0x71: {  	_ =	shalt  }
0x72: {  	_ =	shalt  }
0x73: {  	_ =	shalt  }
0x74: {  	_ =	shalt  }
0x75: {  	_ =	shalt  }
0x76: {  	_ =	shalt  }
0x77: {  	_ =	shalt  }
0x78: {  	_ =	shalt  }
0x79: {  	_ =	shalt  }
0x7a: {  	_ =	shalt  }
0x7b: {  	_ =	shalt  }
0x7c: {  	_ =	shalt  }
0x7d: {  	_ =	shalt  }
0x7e: {  	_ =	shalt  }
0x7f: {  	_ =	shalt  }
0x80: {  	_ =	shalt  }
0x81: {  	_ =	shalt  }
0x82: {  	_ =	shalt  }
0x83: {  	_ =	shalt  }
0x84: {  	_ =	shalt  }
0x85: {  	_ =	shalt  }
0x86: {  	_ =	shalt  }
0x87: {  	_ =	shalt  }
.Lfunc_end0:
.L_simem_size_0:
called_computation_lowered:
.L_overlay_start_0:
0x88: {  	s2 =	sld [smem:$0x3FD9]  }
0x89: {  	s3 =	sld [smem:$0x3FFE];
	_ =	sdelay $0x1  }
0x8a: {  	s1 =	srdreg.scid  }
0x8b: {  	s0 =	sand.u32 $0x1, s1  }
0x8c: {  	s17 =	sshll.u32 s0, $0xA;
	s2 =	sadd.s32 s3, s2  }
0x8d: {  	s2 =	sadd.s32 s2, s17  }
0x8e: {  	[smem:$0x3FBD] =	sst s2  }
0x8f: {  	_ = 	snop  }
0x90: {  	s2 =	sld [smem:$0x3FC7]  }
0x91: {  	s18 =	sld [smem:$0x3FD0];
	(tm) =	ssettm $0x1  }
0x92: {  	s4 =	sld [smem:$0x3FFB];
	_ =	sdelay $0x3  }
0x93: {  	_ =	strace s4  }
0x94: {  	s4 =	sld [smem:$0x3FFC];
	_ =	sdelay $0x3  }
0x95: {  	_ =	strace s4  }
0x96: {  	s4 =	sld [smem:$0x3FFD];
	_ =	sdelay $0x3  }
0x97: {  	_ =	strace s4  }
0x98: {  	_ =	strace $0x8FFFFFFF  }
0x99: {  	s19 =	sld [smem:$0x3FDB];
	_ =	sdelay $0x1  }
0x9a: {  	s5 =	simm.s32 $_scs_section_size  }
0x9b: {  	s6 =	simm.s32 $_size__tile_overlayer_lowered;
	s7 =	simm.s32 $_tile_overlayer_lowered  }
0x9c: {  	s22 =	simm.s32 $0x1BFF;
	s21 =	sshll.u32 s7, $0x1;
	s4 =	sadd.s32 s5, s19  }
0x9d: {  	s8 =	simm.s32 $0x0;
	s20 =	sshll.u32 s6, $0x1;
	s6 =	sadd.s32 s21, s4  }
0x9e: {  	[timem:s8], [sflag:s22] =	dma.local [hbm:s6], s20  }
0x9f: {  	_ =	swait.ge [sflag:s22], s20  }
0xa0: {  	s5 =	ssub.s32 $0x0, s20;
	[sflag:s22] =	ssyncset.done $0x0  }
0xa1: {  	[sflag:s22] =	ssyncadd.s32 s5;
	_ =	sdelay $0x1  }
0xa2: {  	s23 =	simm.s32 $0x1B8B  }
0xa3: {  	_ =	swait.ge [sflag:s23], $0x1  }
0xa4: {  	[sflag:s23] =	ssyncset.done $0x0  }
0xa5: {  	s25 =	simm.s32 $0x1B8E;
	s24 =	sld [smem:$0x3FFE];
	[sflag:s23] =	ssyncadd.s32 $0xFFFFFFFF  }
0xa6: {  	s26 =	simm.s32 $execute0_lowered;
	[smem:$0x3FD2] =	sst s25  }
0xa7: {  	s6 =	sshll.u32 s26, $0x1;
	_ =	strace $0x80000046;
	[dreg:$0x1] =	wrdreg $0xFFFFFFFF  }
0xa8: {  	s28 =	simm.s32 $_size_execute0_lowered;
	s4 =	sadd.s32 s4, s6;
	[dreg:$0x0] =	wrdreg $0x0  }
0xa9: {  	s6 =	sshll.u32 s28, $0x1;
	[dreg:$0x2] =	wrdreg s4  }
0xaa: {  	[dreg:$0x3] =	wrdreg s6  }
0xab: {  	[dreg:$0x4] =	wrdreg $0xC0  }
0xac: {  	_ =	task [dreg:s8], $0x5FFFF  }
0xad: {  	[dreg:$0x1] =	wrdreg $0xFFFFFFFF  }
0xae: {  	[dreg:$0x0] =	wrdreg $0x60  }
0xaf: {  	[dreg:$0x2] =	wrdreg s18  }
0xb0: {  	[dreg:$0x3] =	wrdreg s24  }
0xb1: {  	[dreg:$0x4] =	wrdreg s2  }
0xb2: {  	[dreg:$0x5] =	wrdreg $0x8D800  }
0xb3: {  	[dreg:$0x6] =	wrdreg $0x1CD800  }
0xb4: {  	[dreg:$0x7] =	wrdreg $0x9  }
0xb5: {  	_ =	task.clear_ibuf [dreg:s8], $0x8FFFF;
	_ =	strace $0x90000046  }
0xb6: {  	s29 =	simm.s32 $0x9;
	_ =	strace $0x80000048  }
0xb7: {  	_ =	swait.ge [sflag:s29], $0x1  }
0xb8: {  	[sflag:s29] =	ssyncadd.s32 $0xFFFFFFFF  }
0xb9: {  	_ =	strace $0x90000048  }
0xba: {  	_ =	sfence  }
0xbb: {  	s30 =	sld [smem:$0x0];
	_ =	sdelay $0x2  }
0xbc: {  	s31 =	sshll.u32 s1, $0xD;
	s1 =	sshrl.u32 s1, $0x2  }
0xbd: {  	s3 =	sand.u32 $0x4000, s31;
	s1 =	sadd.s32 s1, s30  }
0xbe: {  	s0 =	sor.u32 s3, s0;
	s1 =	sshll.u32 s1, $0x11  }
0xbf: {  	s0 =	sor.u32 s1, s0  }
0xc0: {  	s0 =	sadd.s32 $0x8F2B, s0  }
0xc1: {  	[sflag:s0] =	ssyncadd.remote.s32 $0x1  }
0xc2: {  	_ =	sfence.sel $0xFFFF  }
0xc3: {  	[dreg:$0x0] =	wrdreg $0xFFFFFFFF;
	(pc) =	sbr.abs _section_cstart, $3  }
0xc4: {  	[dreg:$0x1] =	wrdreg $0xFFFFFFFF  }
0xc5: {  	_ =	task.clear_ibuf [dreg:s8], $0x2FFFF;
	_ =	strace $0x9FFFFFFF  }
0xc6: {  	(tm) =	ssettm $0x7FFFFFFF  }
0xc7: {  	_ =	shalt  }
tec
execute0_lowered:
.L_overlay_start_1:
0x0: {  	(tag) =	ssettag $0x1  }
0x1: {  	s0 =	rddreg [dreg:$0x1]  }
0x2: {  	s5 =	rddreg [dreg:$0x3]  }
0x3: {  	s14 =	rddreg [dreg:$0x4]  }
0x4: {  	s1 =	srdreg.scid;
	s4 =	stileid.u32;
	s3 =	simm.s32 $0x0  }
0x5: {  	s28 =	simm.s32 $0x2580;
	s29 =	simm.s32 $0x2D80;
	s2 =	smul.u32 $0x14000, s4  }
0x6: {  	s30 =	simm.s32 $0x3580;
	s31 =	simm.s32 $0x3D80;
	s6 =	smul.u32 $0x2800, s4  }
0x7: {  	v2 =	vimm.s32 $0x76543210;
	v3 =	vimm.s32 $0xFEDCBA98;
	s1 =	sand.u32 $0x1, s1;
	[smem:$0x7FF] =	sst s3;
	s13 =	smul.u32 $0x50000, s4  }
0x8: {  	v4 =	vimm.s32 $0xBA98FEDC;
	s7 =	sadd.s32 $0x16C00, s0;
	s8 =	sadd.s32 $0xCE00, s0;
	s22 =	smul.u32 $0xA000, s4  }
0x9: {  	v5 =	vimm.s32 $0x32107654;
	s9 =	sadd.s32 $0x3000, s0;
	s15 =	sadd.s32 $0x8C000, s0;
	s19 =	smul.u32 $0x140000, s1  }
0xa: {  	v7 =	vlaneseq.u32;
	vm0 =	vmmov $0xffff;
	v6 =	vimm.s32 $0xDCFE98BA;
	s23 =	sshll.u32 s4, $0x6;
	_ =	strace $0x80000047;
	s10 =	smul.u32 $0x28000, s1  }
0xb: {  	v8 =	vimm.s32 $0x54761032;
	v9 =	vimm.s32 $0xEFCDAB89;
	v10 =	vimm.s32 $0x67452301;
	s11 =	ssub.s32 $0x2, s1;
	s1 =	sshll.u32 s1, $0x4;
	[dreg:$0x6] =	wrdreg s15  }
0xc: {  	vm1 =	vmmov $0x1;
	vm2 =	vcmask $0x308;
	vm3 =	vcmask $0x70C;
	s12 =	sshrl.u32 s11, $0x1;
	s1 =	sor.u32 s4, s1;
	s21 =	sshrl.u32 s13, $0x2  }
0xd: {  	vm4 =	vcmask $0xB10;
	v19 =	vimm.f32 $0.0e+00;
	v1 =	vshrl.u32 v7, $0x3;
	s4 =	sor.u32 $0x1C02, s23;
	s24 =	sshrl.u32 s22, $0x2;
	s22 =	simm.s32 $0x80  }
0xe: {  	v0 =	vand.u32 $0x7, v7;
	v2 =	vunpack.c.l.s4.s8 v2;
	v3 =	vunpack.c.l.s4.s8 v3;
	s23 =	simm.s32 $0x28;
	s3 =	sadd.s32 s2, s19;
	s10 =	sadd.s32 s6, s10  }
0xf: {  	v4 =	vunpack.c.l.s4.s8 v4;
	v5 =	vunpack.c.l.s4.s8 v5;
	v6 =	vunpack.c.l.s4.s8 v6;
	s20 =	ssub.s32 s11, s12;
	s2 =	sshrl.u32 s2, $0x3;
	s11 =	sadd.s32 s21, s5  }
0x10: {  	v8 =	vunpack.c.l.s4.s8 v8;
	v9 =	vunpack.c.l.s4.s8 v9;
	v10 =	vunpack.c.l.s4.s8 v10;
	s6 =	sshrl.u32 s6, $0x3;
	s5 =	smov.u32 s14;
	s19 =	simm.s32 $0x2  }
0x11: {  	v1 =	vmul.u32 $0x8, v1;
	v4 =	vunpack.c.0.s8.s32 v4;
	v5 =	vunpack.c.0.s8.s32 v5;
	s21 =	simm.s32 $0x6580;
	s12 =	simm.s32 $0x0;
	[dreg:$0x8] =	wrdreg s4  }
0x12: {  	v6 =	vunpack.c.0.s8.s32 v6;
	v8 =	vunpack.c.0.s8.s32 v8;
	v3 =	vunpack.c.0.s8.s32 v3;
	s3 =	sshrl.u32 s3, $0x3;
	s10 =	sshrl.u32 s10, $0x3;
	s2 =	sadd.s32 s15, s2  }
0x13: {  	v9 =	vunpack.c.0.s8.s32 v9;
	v10 =	vunpack.c.0.s8.s32 v10;
	v11 =	vunpack.c.0.s8.s32 v2;
	s6 =	sadd.s32 s15, s6;
	s26 =	smax.u32 s20, $0x1;
	[dreg:$0x7] =	wrdreg s2  }
0x14: {  	v2 =	vor.u32 $0x8, v7;
	v7 =	vmul.u32 $0x80, v7;
	v4 =	vcombine.low v5, v4;
	s3 =	sadd.s32 s3, s0;
	s0 =	sadd.s32 s10, s0;
	[dreg:$0x9] =	wrdreg s6  }
0x15: {  	v5 =	vcombine.low v8, v6;
	v3 =	vand.u32 $0xF, v3;
	v6 =	vcombine.low v10, v9;
	s2 =	sadd.s32 s24, s14;
	s14 =	smul.u32 $0x2710, s1;
	[dreg:$0xc] =	wrdreg s26  }
0x16: {  	v8 =	vor.u32 $0x1, v7;
	v9 =	vor.u32 $0x2, v7;
	v10 =	vor.u32 $0x3, v7;
	s10 =	sshrl.u32 s11, $0x3;
	s24 =	simm.s32 $0x180;
	s26 =	simm.s32 $0x1D80  }
0x17: {  	v12 =	vor.u32 $0x801, v7;
	v13 =	vor.u32 $0x802, v7;
	v14 =	vor.u32 $0x803, v7;
	s6 =	simm.s32 $0x5180;
	s25 =	sadd.s32 $0xBE000, s3;
	[dreg:$0xd] =	wrdreg s10  }
0x18: {  	v15 =	vadd.s32 $0xC00, v7;
	v16 =	vadd.s32 $0xC01, v7;
	v17 =	vadd.s32 $0xC02, v7;
	s11 =	simm.s32 $0x100;
	s0 =	sadd.s32 $0xB4000, s0;
	[dreg:$0xa] =	wrdreg s25  }
0x19: {  	v18 =	vadd.s32 $0xC03, v7;
	v3 =	vcombine.low v3, v11;
	v11 =	vor.u32 $0x800, v7;
	s2 =	sshrl.u32 s2, $0x3;
	s3 =	simm.s32 $0x7980;
	[dreg:$0xb] =	wrdreg s0  }
0x1a: {  	v4 =	vand.u32 $0xF, v4;
	v5 =	vand.u32 $0xF, v5;
	v6 =	vand.u32 $0xF, v6;
	s25 =	simm.s32 $0x1580;
	s0 =	simm.s32 $0x1;
	[dreg:$0xe] =	wrdreg s2  }
.LBB2_1:
0x1b: {  	[dreg:$0xf] =	wrdreg s12  }
0x1c: {  	s1 =	rddreg [dreg:$0x7]  }
0x1d: {  	[spmem:s10], [sflag:s4] =	dma.local [hbm:s1], $0x2800  }
0x1e: {  	_ =	swait.ge [sflag:s19], $0x2800  }
0x1f: {  	[sflag:s19] =	ssyncset.done $0x0  }
0x20: {  	s17 =	rddreg [dreg:$0x9];
	[sflag:s19] =	ssyncadd.s32 $0xFFFFD800  }
0x21: {  	[spmem:s2], [sflag:s4] =	dma.local [hbm:s17], $0x500  }
0x22: {  	_ =	swait.ge [sflag:s19], $0x500  }
0x23: {  	[sflag:s19] =	ssyncset.done $0x0  }
0x24: {  	s18 =	simm.s32 $0x0;
	s20 =	rddreg [dreg:$0x6];
	[sflag:s19] =	ssyncadd.s32 $0xFFFFFB00  }
0x25: {  	[tilespmem:s21], [sflag:$0x2] =	stream.linear.gather [hbm4b:s20+s18], $0x1400, $0x38;
	[tilespmem:$0x1F580] =	vst v63  }
0x26: {  	_ =	swait.ge [sflag:s19], $0x1400  }
0x27: {  	[sflag:s19] =	ssyncset.done $0x0  }
0x28: {  	[sflag:s19] =	ssyncadd.s32 $0xFFFFEC00  }
0x29: {  	s10 =	simm.s32 $0x0;
	[bflag:$0x0] =	sbarrier.arrive $0xFFFF  }
.LBB2_2:
0x2a: {  	s1 =	smul.u32 $0x28, s10;
	_ =	sdelay $0x1  }
0x2b: {  	s1 =	sadd.s32 s14, s1  }
0x2c: {  	s2 =	sshrl.u32 s1, $0x3  }
0x2d: {  	s15 =	simm.s32 $0x0;
	s12 =	sadd.s32 s8, s2  }
0x2e: {  	[tilespmem:s15], [sflag:$0x2] =	stream.linear.gather [hbm4b:s12+s15], $0x28, $0x38;
	[tilespmem:$0x1F580] =	vst v63  }
0x2f: {  	_ =	swait.ge [sflag:s19], $0x28  }
0x30: {  	[sflag:s19] =	ssyncset.done $0x0  }
0x31: {  	s2 =	sadd.s32 s9, s2;
	[sflag:s19] =	ssyncadd.s32 $0xFFFFFFD8  }
0x32: {  	[tilespmem:s22], [sflag:$0x2] =	stream.linear.gather [hbm4b:s2+s15], $0x28, $0x38;
	[tilespmem:$0x1F580] =	vst v63  }
0x33: {  	_ =	swait.ge [sflag:s19], $0x28  }
0x34: {  	[sflag:s19] =	ssyncset.done $0x0  }
0x35: {  	[sflag:s19] =	ssyncadd.s32 $0xFFFFFFD8  }
0x36: {  	s4 =	rddreg [dreg:$0x0]  }
0x37: {  	[tilespmem:s24], [sflag:$0x1] =	stream.indirect.gather [hbm4b:s4+s23], $0x80, s22, s23, $0xb8;
	[tilespmem:$0x1F580] =	vst v63  }
0x38: {  	v20 =	vld [tilespmem:$0x0];
	_ =	sdelay $0x4  }
0x39: {  	v21 =	vshll.u32 v20, $0x1  }
0x3a: {  	v20 =	vand.u32 $0x7, v20;
	v21 =	vand.u32 $0xFFFFFFF0, v21  }
0x3b: {  	v20 =	vor.u32 v20, v21  }
0x3c: {  	v21 =	vperm.xlane v20, v0;
	_ =	sdelay $0x1  }
0x3d: {  	v20 =	vperm.xlane v20, v2;
	v21 =	vadd.s32 v1, v21;
	_ =	sdelay $0x1  }
0x3e: {  	v20 =	vadd.s32 v1, v20;
	_ =	sdelay $0x2  }
0x3f: {  	[tilespmem:s25], [sflag:$0x1] =	stream.indirect_vreg.gather [hbm4b:s7+s15], $0x80, v21, vm0, $0xb8;
	[tilespmem:$0x1F580] =	vst v63  }
0x40: {  	_ = 	snop  }
0x41: {  	[tilespmem:s26], [sflag:$0x1] =	stream.indirect_vreg.gather [hbm4b:s7+s15], $0x80, v20, vm0, $0xb8;
	[tilespmem:$0x1F580] =	vst v63  }
0x42: {  	v20 =	vld [tilespmem:$0x10];
	_ =	sdelay $0x4  }
0x43: {  	v21 =	vshll.u32 v20, $0x1  }
0x44: {  	v20 =	vand.u32 $0x7, v20;
	v21 =	vand.u32 $0xFFFFFFF0, v21  }
0x45: {  	v20 =	vor.u32 v20, v21  }
0x46: {  	v21 =	vperm.xlane v20, v0;
	_ =	sdelay $0x1  }
0x47: {  	v20 =	vperm.xlane v20, v2;
	v21 =	vadd.s32 v1, v21;
	_ =	sdelay $0x1  }
0x48: {  	v20 =	vadd.s32 v1, v20;
	_ =	sdelay $0x2  }
0x49: {  	[tilespmem:s28], [sflag:$0x1] =	stream.indirect_vreg.gather [hbm4b:s7+s15], $0x80, v21, vm0, $0xb8;
	[tilespmem:$0x1F580] =	vst v63  }
0x4a: {  	_ = 	snop  }
0x4b: {  	[tilespmem:s29], [sflag:$0x1] =	stream.indirect_vreg.gather [hbm4b:s7+s15], $0x80, v20, vm0, $0xb8;
	[tilespmem:$0x1F580] =	vst v63  }
0x4c: {  	v20 =	vld.msk [tilespmem:$0x20], $0xff;
	_ =	sdelay $0x4  }
0x4d: {  	v21 =	vshll.u32 v20, $0x1  }
0x4e: {  	v20 =	vand.u32 $0x7, v20;
	v21 =	vand.u32 $0xFFFFFFF0, v21  }
0x4f: {  	v20 =	vor.u32 v20, v21  }
0x50: {  	v20 =	vperm.xlane v20, v0;
	_ =	sdelay $0x1  }
0x51: {  	v20 =	vadd.s32 v1, v20;
	_ =	sdelay $0x3  }
0x52: {  	s1 =	sshll.u32 s1, $0x4;
	s12 =	rddreg [dreg:$0x2]  }
0x53: {  	[tilespmem:s30], [sflag:$0x1] =	stream.indirect_vreg.gather [hbm4b:s7+s15], $0x80, v20, vm0, $0xb8;
	[tilespmem:$0x1F580] =	vst v63  }
0x54: {  	s1 =	sadd.s32 s12, s1  }
0x55: {  	[tilespmem:s31], [sflag:$0x2] =	stream.linear.gather [hbm4b:s1+s15], $0x1400, $0x38;
	[tilespmem:$0x1F580] =	vst v63  }
0x56: {  	_ =	swait.ge [sflag:s19], $0x1400  }
0x57: {  	[sflag:s19] =	ssyncset.done $0x0  }
0x58: {  	[sflag:s19] =	ssyncadd.s32 $0xFFFFEC00  }
0x59: {  	v20 =	vld [tilespmem:$0x80]  }
0x5a: {  	v21 =	vld [tilespmem:$0x90]  }
0x5b: {  	v22 =	vld [tilespmem:$0x98];
	_ =	sdelay $0x2  }
0x5c: {  	v20 =	vshrl.u32 v20, $0x3  }
0x5d: {  	[tilespmem:$0x100] =	vst v20;
	v20 =	vshrl.u32 v21, $0x3  }
0x5e: {  	[tilespmem:$0x110] =	vst v20;
	v20 =	vshrl.u32 v22, $0x3  }
0x5f: {  	[tilespmem:$0x118] =	vst v20  }
0x60: {  	_ =	swait.ge [sflag:s0], $0x1400  }
0x61: {  	[sflag:s0] =	ssyncset.done $0x0  }
0x62: {  	[sflag:s0] =	ssyncadd.s32 $0xFFFFEC00  }
0x63: {  	_ =	swait.ge [sflag:s0], $0x2800  }
0x64: {  	[sflag:s0] =	ssyncset.done $0x0  }
0x65: {  	s13 =	simm.s32 $0x3DC0;
	[sflag:s0] =	ssyncadd.s32 $0xFFFFD800  }
0x66: {  	s18 =	sand.u32 $0x3800, s15;
	s20 =	sand.u32 $0x380, s15;
	v20 =	vld [tilespmem:s13+$0xFFFFFFD0]  }
0x67: {  	s18 =	sor.u32 s20, s18;
	v21 =	vld [tilespmem:s13+$0xFFFFFFC0]  }
0x68: {  	v22 =	vld [tilespmem:s18+$0x1580]  }
0x69: {  	s16 =	simm.s32 $0x1C0;
	v23 =	vld [tilespmem:s18+$0x1590]  }
0x6a: {  	v24 =	vld [tilespmem:s16+$0xFFFFFFC0]  }
0x6b: {  	v25 =	vld [tilespmem:s16+$0xFFFFFFD0];
	_ =	sdelay $0x2  }
0x6c: {  	v22 =	vadd.f32 v22, v21;
	v23 =	vadd.f32 v23, v20;
	_ =	sdelay $0x1  }
0x6d: {  	v22 =	vmul.f32 v24, v22;
	v23 =	vmul.f32 v25, v23;
	_ =	sdelay $0x1  }
0x6e: {  	v22 =	vadd.f32 v23, v22;
	_ =	sdelay $0x1  }
0x6f: {  	v23 =	vperm.xlane v22, v3;
	_ =	sdelay $0x1  }
0x70: {  	v22 =	vadd.f32 v22, v23;
	_ =	sdelay $0x1  }
0x71: {  	v23 =	vperm.xlane v22, v4;
	_ =	sdelay $0x1  }
0x72: {  	v22 =	vadd.f32 v22, v23;
	_ =	sdelay $0x1  }
0x73: {  	v23 =	vperm.xlane v22, v5;
	_ =	sdelay $0x1  }
0x74: {  	v22 =	vadd.f32 v22, v23;
	_ =	sdelay $0x1  }
0x75: {  	v23 =	vperm.xlane v22, v6;
	_ =	sdelay $0x1  }
0x76: {  	v22 =	vadd.f32 v22, v23;
	_ =	sdelay $0x1  }
0x77: {  	v22 =	vmul.f32 $1.767766920e-01, v22;
	_ =	sdelay $0x1  }
0x78: {  	v22 =	vmul.f32 $1.442695020e+00, v22;
	_ =	sdelay $0x1  }
0x79: {  	(erf) = vpow2.f32 v22;
	_ =	sdelay $0x2  }
0x7a: {  	v22 =	vld [tilespmem:s18+$0x1980];
	_ =	sdelay $0x4  }
0x7b: {  	v21 =	vadd.f32 v22, v21  }
0x7c: {  	v23 =	vpop (erf)  }
0x7d: {  	v21 =	vmul.f32 v23, v21  }
0x7e: {  	s17 =	simm.s32 $0x51C0  }
0x7f: {  	[tilespmem:s17+$0xFFFFFFC0] =	vst v21  }
0x80: {  	v21 =	vld [tilespmem:s18+$0x1990];
	_ =	sdelay $0x4  }
0x81: {  	v20 =	vadd.f32 v21, v20;
	_ =	sdelay $0x1  }
0x82: {  	v20 =	vmul.f32 v23, v20;
	_ =	sdelay $0x1  }
0x83: {  	[tilespmem:s17+$0xFFFFFFD0] =	vst v20  }
0x84: {  	v20 =	vld [tilespmem:s18+$0x15B0]  }
0x85: {  	v21 =	vld [tilespmem:s18+$0x15A0]  }
0x86: {  	v22 =	vld [tilespmem:s13+$0xFFFFFFE0]  }
0x87: {  	v24 =	vld [tilespmem:s13+$0xFFFFFFF0]  }
0x88: {  	v25 =	vld [tilespmem:s16+$0xFFFFFFE0]  }
0x89: {  	v26 =	vld [tilespmem:s16+$0xFFFFFFF0];
	_ =	sdelay $0x2  }
0x8a: {  	v21 =	vadd.f32 v21, v22;
	v20 =	vadd.f32 v20, v24;
	_ =	sdelay $0x1  }
0x8b: {  	v21 =	vmul.f32 v25, v21;
	v20 =	vmul.f32 v26, v20;
	_ =	sdelay $0x1  }
0x8c: {  	v20 =	vadd.f32 v20, v21;
	_ =	sdelay $0x1  }
0x8d: {  	v21 =	vperm.xlane v20, v3;
	_ =	sdelay $0x1  }
0x8e: {  	v20 =	vadd.f32 v20, v21;
	_ =	sdelay $0x1  }
0x8f: {  	v21 =	vperm.xlane v20, v4;
	_ =	sdelay $0x1  }
0x90: {  	v20 =	vadd.f32 v20, v21;
	_ =	sdelay $0x1  }
0x91: {  	v21 =	vperm.xlane v20, v5;
	_ =	sdelay $0x1  }
0x92: {  	v20 =	vadd.f32 v20, v21;
	_ =	sdelay $0x1  }
0x93: {  	v21 =	vperm.xlane v20, v6;
	_ =	sdelay $0x1  }
0x94: {  	v20 =	vadd.f32 v20, v21;
	_ =	sdelay $0x1  }
0x95: {  	v20 =	vmul.f32 $1.767766920e-01, v20;
	_ =	sdelay $0x1  }
0x96: {  	v20 =	vmul.f32 $1.442695020e+00, v20;
	_ =	sdelay $0x1  }
0x97: {  	(erf) = vpow2.f32 v20;
	_ =	sdelay $0x2  }
0x98: {  	v20 =	vld [tilespmem:s18+$0x19A0];
	_ =	sdelay $0x4  }
0x99: {  	v20 =	vadd.f32 v20, v22  }
0x9a: {  	v21 =	vpop (erf)  }
0x9b: {  	v20 =	vmul.f32 v21, v20;
	_ =	sdelay $0x1  }
0x9c: {  	[tilespmem:s17+$0xFFFFFFE0] =	vst v20  }
0x9d: {  	v20 =	vld [tilespmem:s18+$0x19B0];
	_ =	sdelay $0x4  }
0x9e: {  	v20 =	vadd.f32 v20, v24;
	_ =	sdelay $0x1  }
0x9f: {  	v20 =	vmul.f32 v21, v20;
	_ =	sdelay $0x1  }
0xa0: {  	[tilespmem:s17+$0xFFFFFFF0] =	vst v20  }
0xa1: {  	v20 =	vld [tilespmem:s18+$0x15D0]  }
0xa2: {  	v22 =	vld [tilespmem:s13+$0x10]  }
0xa3: {  	v24 =	vld [tilespmem:s18+$0x15C0]  }
0xa4: {  	v25 =	vld [tilespmem:s13+$0x0]  }
0xa5: {  	v26 =	vld [tilespmem:s16+$0x10]  }
0xa6: {  	v27 =	vld [tilespmem:s16+$0x0];
	_ =	sdelay $0x2  }
0xa7: {  	v20 =	vadd.f32 v20, v22;
	v24 =	vadd.f32 v24, v25;
	_ =	sdelay $0x1  }
0xa8: {  	v24 =	vmul.f32 v27, v24;
	v20 =	vmul.f32 v26, v20;
	_ =	sdelay $0x1  }
0xa9: {  	v20 =	vadd.f32 v20, v24;
	_ =	sdelay $0x1  }
0xaa: {  	v24 =	vperm.xlane v20, v3;
	_ =	sdelay $0x1  }
0xab: {  	v20 =	vadd.f32 v20, v24;
	_ =	sdelay $0x1  }
0xac: {  	v24 =	vperm.xlane v20, v4;
	_ =	sdelay $0x1  }
0xad: {  	v20 =	vadd.f32 v20, v24;
	_ =	sdelay $0x1  }
0xae: {  	v24 =	vperm.xlane v20, v5;
	_ =	sdelay $0x1  }
0xaf: {  	v20 =	vadd.f32 v20, v24;
	_ =	sdelay $0x1  }
0xb0: {  	v24 =	vperm.xlane v20, v6;
	_ =	sdelay $0x1  }
0xb1: {  	v20 =	vadd.f32 v20, v24;
	_ =	sdelay $0x1  }
0xb2: {  	v20 =	vmul.f32 $1.767766920e-01, v20;
	_ =	sdelay $0x1  }
0xb3: {  	v20 =	vmul.f32 $1.442695020e+00, v20;
	_ =	sdelay $0x1  }
0xb4: {  	(erf) = vpow2.f32 v20;
	_ =	sdelay $0x2  }
0xb5: {  	v20 =	vld [tilespmem:s18+$0x19C0];
	_ =	sdelay $0x4  }
0xb6: {  	v20 =	vadd.f32 v20, v25  }
0xb7: {  	v25 =	vpop (erf)  }
0xb8: {  	v20 =	vmul.f32 v25, v20;
	_ =	sdelay $0x1  }
0xb9: {  	[tilespmem:s17+$0x0] =	vst v20  }
0xba: {  	v20 =	vld [tilespmem:s18+$0x19D0];
	_ =	sdelay $0x4  }
0xbb: {  	v20 =	vadd.f32 v20, v22;
	_ =	sdelay $0x1  }
0xbc: {  	v20 =	vmul.f32 v25, v20;
	_ =	sdelay $0x1  }
0xbd: {  	[tilespmem:s17+$0x10] =	vst v20  }
0xbe: {  	v20 =	vld [tilespmem:s13+$0x20]  }
0xbf: {  	v24 =	vld [tilespmem:s18+$0x15F0]  }
0xc0: {  	v22 =	vld [tilespmem:s13+$0x30]  }
0xc1: {  	v26 =	vld [tilespmem:s18+$0x15E0]  }
0xc2: {  	v27 =	vld [tilespmem:s16+$0x20]  }
0xc3: {  	v28 =	vld [tilespmem:s16+$0x30];
	_ =	sdelay $0x2  }
0xc4: {  	v24 =	vadd.f32 v24, v22;
	v26 =	vadd.f32 v26, v20;
	_ =	sdelay $0x1  }
0xc5: {  	v26 =	vmul.f32 v27, v26;
	v24 =	vmul.f32 v28, v24;
	_ =	sdelay $0x1  }
0xc6: {  	v24 =	vadd.f32 v24, v26;
	_ =	sdelay $0x1  }
0xc7: {  	v26 =	vperm.xlane v24, v3;
	_ =	sdelay $0x1  }
0xc8: {  	v24 =	vadd.f32 v24, v26;
	_ =	sdelay $0x1  }
0xc9: {  	v26 =	vperm.xlane v24, v4;
	_ =	sdelay $0x1  }
0xca: {  	v24 =	vadd.f32 v24, v26;
	_ =	sdelay $0x1  }
0xcb: {  	v26 =	vperm.xlane v24, v5;
	_ =	sdelay $0x1  }
0xcc: {  	v24 =	vadd.f32 v24, v26;
	_ =	sdelay $0x1  }
0xcd: {  	v26 =	vperm.xlane v24, v6;
	_ =	sdelay $0x1  }
0xce: {  	v24 =	vadd.f32 v24, v26;
	_ =	sdelay $0x1  }
0xcf: {  	v24 =	vmul.f32 $1.767766920e-01, v24;
	_ =	sdelay $0x1  }
0xd0: {  	v24 =	vmul.f32 $1.442695020e+00, v24;
	_ =	sdelay $0x1  }
0xd1: {  	(erf) = vpow2.f32 v24;
	_ =	sdelay $0x2  }
0xd2: {  	v24 =	vld [tilespmem:s18+$0x19E0];
	_ =	sdelay $0x4  }
0xd3: {  	v26 =	vadd.f32 v24, v20  }
0xd4: {  	v24 =	vpop (erf)  }
0xd5: {  	s20 =	simm.s32 $0x7980;
	s2 =	simm.s32 $0x3E40;
	v21 =	vsel vm2, $0x0, v21;
	v26 =	vmul.f32 v24, v26  }
0xd6: {  	s12 =	simm.s32 $0x7980;
	s1 =	simm.s32 $0x5240;
	s13 =	simm.s32 $0x80;
	v20 =	vnsel vm1, $0x0, v23;
	v23 =	vsel vm3, $0x0, v25;
	v25 =	vsel vm4, $0x0, v24  }
.LBB2_3:
0xd7: {  	[tilespmem:s17+$0x20] =	vst v26;
	s15 =	sadd.s32 $0x100, s15;
	s20 =	sadd.s32 $0x80, s20;
	s16 =	sadd.s32 $0x80, s16  }
0xd8: {  	p0 =	sne.s32 s13, $0x1380;
	v26 =	vld [tilespmem:s18+$0x19F0];
	s18 =	smov.u32 s13;
	s13 =	sadd.s32 $0x80, s13  }
0xd9: {  	_ = 	snop  }
0xda: {  	v20 =	vadd.f32 $0.0e+00, v20;
	_ =	sdelay $0x1  }
0xdb: {  	v20 =	vadd.f32 v21, v20  }
0xdc: {  	v21 =	vadd.f32 v26, v22  }
0xdd: {  	v20 =	vadd.f32 v23, v20  }
0xde: {  	v21 =	vmul.f32 v24, v21  }
0xdf: {  	v20 =	vadd.f32 v25, v20  }
0xe0: {  	[tilespmem:s17+$0x30] =	vst v21;
	s17 =	smov.u32 s1  }
0xe1: {  	[tilespmem:s12+$0x0] =	vst v20;
	s12 =	smov.u32 s20;
	_ =	sdelay $0x1  }
0xe2: {  	s4 =	sand.u32 $0x3800, s15;
	s18 =	sand.u32 $0x380, s18;
	v21 =	vld [tilespmem:s2+$0xFFFFFFD0]  }
0xe3: {  	s18 =	sor.u32 s18, s4;
	v20 =	vld [tilespmem:s2+$0xFFFFFFC0]  }
0xe4: {  	v22 =	vld [tilespmem:s18+$0x1580]  }
0xe5: {  	v23 =	vld [tilespmem:s18+$0x1590]  }
0xe6: {  	v24 =	vld [tilespmem:s16+$0xFFFFFFC0]  }
0xe7: {  	v25 =	vld [tilespmem:s16+$0xFFFFFFD0];
	_ =	sdelay $0x1  }
0xe8: {  	v22 =	vadd.f32 v22, v20  }
0xe9: {  	v23 =	vadd.f32 v23, v21  }
0xea: {  	v22 =	vmul.f32 v24, v22  }
0xeb: {  	v23 =	vmul.f32 v25, v23;
	_ =	sdelay $0x1  }
0xec: {  	v22 =	vadd.f32 v23, v22;
	_ =	sdelay $0x1  }
0xed: {  	v23 =	vperm.xlane v22, v3;
	_ =	sdelay $0x1  }
0xee: {  	v22 =	vadd.f32 v22, v23;
	_ =	sdelay $0x1  }
0xef: {  	v23 =	vperm.xlane v22, v4;
	_ =	sdelay $0x1  }
0xf0: {  	v22 =	vadd.f32 v22, v23;
	_ =	sdelay $0x1  }
0xf1: {  	v23 =	vperm.xlane v22, v5;
	_ =	sdelay $0x1  }
0xf2: {  	v22 =	vadd.f32 v22, v23;
	_ =	sdelay $0x1  }
0xf3: {  	v23 =	vperm.xlane v22, v6;
	_ =	sdelay $0x1  }
0xf4: {  	v22 =	vadd.f32 v22, v23;
	_ =	sdelay $0x1  }
0xf5: {  	v22 =	vmul.f32 $1.767766920e-01, v22;
	_ =	sdelay $0x1  }
0xf6: {  	v22 =	vmul.f32 $1.442695020e+00, v22;
	_ =	sdelay $0x1  }
0xf7: {  	(erf) = vpow2.f32 v22;
	_ =	sdelay $0x1  }
0xf8: {  	v22 =	vld [tilespmem:s18+$0x1980];
	_ =	sdelay $0x4  }
0xf9: {  	v20 =	vadd.f32 v22, v20;
	_ =	sdelay $0x1  }
0xfa: {  	v22 =	vpop (erf)  }
0xfb: {  	v23 =	vmul.f32 v22, v20;
	v20 =	vnsel vm1, $0x0, v22;
	_ =	sdelay $0x1  }
0xfc: {  	[tilespmem:s1+$0xFFFFFFC0] =	vst v23  }
0xfd: {  	v23 =	vld [tilespmem:s18+$0x1990];
	_ =	sdelay $0x4  }
0xfe: {  	v21 =	vadd.f32 v23, v21;
	_ =	sdelay $0x1  }
0xff: {  	v21 =	vmul.f32 v22, v21;
	_ =	sdelay $0x1  }
0x100: {  	[tilespmem:s1+$0xFFFFFFD0] =	vst v21  }
0x101: {  	v21 =	vld [tilespmem:s18+$0x15B0]  }
0x102: {  	v22 =	vld [tilespmem:s18+$0x15A0]  }
0x103: {  	v23 =	vld [tilespmem:s2+$0xFFFFFFE0]  }
0x104: {  	v24 =	vld [tilespmem:s2+$0xFFFFFFF0]  }
0x105: {  	v25 =	vld [tilespmem:s16+$0xFFFFFFE0]  }
0x106: {  	v26 =	vld [tilespmem:s16+$0xFFFFFFF0];
	_ =	sdelay $0x1  }
0x107: {  	v22 =	vadd.f32 v22, v23  }
0x108: {  	v21 =	vadd.f32 v21, v24  }
0x109: {  	v22 =	vmul.f32 v25, v22  }
0x10a: {  	v21 =	vmul.f32 v26, v21;
	_ =	sdelay $0x1  }
0x10b: {  	v21 =	vadd.f32 v21, v22;
	_ =	sdelay $0x1  }
0x10c: {  	v22 =	vperm.xlane v21, v3;
	_ =	sdelay $0x1  }
0x10d: {  	v21 =	vadd.f32 v21, v22;
	_ =	sdelay $0x1  }
0x10e: {  	v22 =	vperm.xlane v21, v4;
	_ =	sdelay $0x1  }
0x10f: {  	v21 =	vadd.f32 v21, v22;
	_ =	sdelay $0x1  }
0x110: {  	v22 =	vperm.xlane v21, v5;
	_ =	sdelay $0x1  }
0x111: {  	v21 =	vadd.f32 v21, v22;
	_ =	sdelay $0x1  }
0x112: {  	v22 =	vperm.xlane v21, v6;
	_ =	sdelay $0x1  }
0x113: {  	v21 =	vadd.f32 v21, v22;
	_ =	sdelay $0x1  }
0x114: {  	v21 =	vmul.f32 $1.767766920e-01, v21;
	_ =	sdelay $0x1  }
0x115: {  	v21 =	vmul.f32 $1.442695020e+00, v21;
	_ =	sdelay $0x1  }
0x116: {  	(erf) = vpow2.f32 v21;
	_ =	sdelay $0x2  }
0x117: {  	v21 =	vld [tilespmem:s18+$0x19A0];
	_ =	sdelay $0x4  }
0x118: {  	v21 =	vadd.f32 v21, v23  }
0x119: {  	v22 =	vpop (erf)  }
0x11a: {  	v23 =	vmul.f32 v22, v21;
	v21 =	vsel vm2, $0x0, v22;
	_ =	sdelay $0x1  }
0x11b: {  	[tilespmem:s1+$0xFFFFFFE0] =	vst v23  }
0x11c: {  	v23 =	vld [tilespmem:s18+$0x19B0];
	_ =	sdelay $0x4  }
0x11d: {  	v23 =	vadd.f32 v23, v24;
	_ =	sdelay $0x1  }
0x11e: {  	v22 =	vmul.f32 v22, v23;
	_ =	sdelay $0x1  }
0x11f: {  	[tilespmem:s1+$0xFFFFFFF0] =	vst v22  }
0x120: {  	v22 =	vld [tilespmem:s16+$0x10]  }
0x121: {  	v23 =	vld [tilespmem:s18+$0x15D0]  }
0x122: {  	v24 =	vld [tilespmem:s2+$0x10]  }
0x123: {  	v25 =	vld [tilespmem:s18+$0x15C0]  }
0x124: {  	v26 =	vld [tilespmem:s2+$0x0];
	_ =	sdelay $0x1  }
0x125: {  	v27 =	vld [tilespmem:s16+$0x0]  }
0x126: {  	v23 =	vadd.f32 v23, v24;
	_ =	sdelay $0x1  }
0x127: {  	v25 =	vadd.f32 v25, v26;
	_ =	sdelay $0x1  }
0x128: {  	v22 =	vmul.f32 v22, v23;
	v25 =	vmul.f32 v27, v25;
	_ =	sdelay $0x1  }
0x129: {  	v22 =	vadd.f32 v22, v25;
	_ =	sdelay $0x1  }
0x12a: {  	v23 =	vperm.xlane v22, v3;
	_ =	sdelay $0x1  }
0x12b: {  	v22 =	vadd.f32 v22, v23;
	_ =	sdelay $0x1  }
0x12c: {  	v23 =	vperm.xlane v22, v4;
	_ =	sdelay $0x1  }
0x12d: {  	v22 =	vadd.f32 v22, v23;
	_ =	sdelay $0x1  }
0x12e: {  	v23 =	vperm.xlane v22, v5;
	_ =	sdelay $0x1  }
0x12f: {  	v22 =	vadd.f32 v22, v23;
	_ =	sdelay $0x1  }
0x130: {  	v23 =	vperm.xlane v22, v6;
	_ =	sdelay $0x1  }
0x131: {  	v22 =	vadd.f32 v22, v23;
	_ =	sdelay $0x1  }
0x132: {  	v22 =	vmul.f32 $1.767766920e-01, v22;
	_ =	sdelay $0x1  }
0x133: {  	v22 =	vmul.f32 $1.442695020e+00, v22;
	_ =	sdelay $0x1  }
0x134: {  	(erf) = vpow2.f32 v22;
	_ =	sdelay $0x2  }
0x135: {  	v22 =	vld [tilespmem:s18+$0x19C0];
	_ =	sdelay $0x4  }
0x136: {  	v22 =	vadd.f32 v22, v26  }
0x137: {  	v25 =	vpop (erf)  }
0x138: {  	v22 =	vmul.f32 v25, v22;
	v23 =	vsel vm3, $0x0, v25;
	_ =	sdelay $0x1  }
0x139: {  	[tilespmem:s1+$0x0] =	vst v22  }
0x13a: {  	v22 =	vld [tilespmem:s18+$0x19D0];
	_ =	sdelay $0x4  }
0x13b: {  	v22 =	vadd.f32 v22, v24;
	_ =	sdelay $0x1  }
0x13c: {  	v22 =	vmul.f32 v25, v22;
	_ =	sdelay $0x1  }
0x13d: {  	[tilespmem:s1+$0x10] =	vst v22  }
0x13e: {  	v24 =	vld [tilespmem:s2+$0x20]  }
0x13f: {  	v25 =	vld [tilespmem:s18+$0x15F0]  }
0x140: {  	v22 =	vld [tilespmem:s2+$0x30]  }
0x141: {  	v26 =	vld [tilespmem:s18+$0x15E0]  }
0x142: {  	v27 =	vld [tilespmem:s16+$0x20]  }
0x143: {  	v28 =	vld [tilespmem:s16+$0x30]  }
0x144: {  	v29 =	vld [tilespmem:s18+$0x19E0]  }
0x145: {  	v25 =	vadd.f32 v25, v22  }
0x146: {  	v26 =	vadd.f32 v26, v24;
	_ =	sdelay $0x1  }
0x147: {  	v26 =	vmul.f32 v27, v26;
	v25 =	vmul.f32 v28, v25  }
0x148: {  	v27 =	vadd.f32 v29, v24  }
0x149: {  	v24 =	vadd.f32 v25, v26;
	_ =	sdelay $0x1  }
0x14a: {  	v25 =	vperm.xlane v24, v3;
	_ =	sdelay $0x1  }
0x14b: {  	v24 =	vadd.f32 v24, v25;
	_ =	sdelay $0x1  }
0x14c: {  	v25 =	vperm.xlane v24, v4;
	_ =	sdelay $0x1  }
0x14d: {  	v24 =	vadd.f32 v24, v25;
	_ =	sdelay $0x1  }
0x14e: {  	v25 =	vperm.xlane v24, v5;
	_ =	sdelay $0x1  }
0x14f: {  	v24 =	vadd.f32 v24, v25;
	_ =	sdelay $0x1  }
0x150: {  	v25 =	vperm.xlane v24, v6;
	_ =	sdelay $0x1  }
0x151: {  	v24 =	vadd.f32 v24, v25;
	_ =	sdelay $0x1  }
0x152: {  	v24 =	vmul.f32 $1.767766920e-01, v24;
	_ =	sdelay $0x1  }
0x153: {  	v24 =	vmul.f32 $1.442695020e+00, v24;
	_ =	sdelay $0x1  }
0x154: {  	(erf) = vpow2.f32 v24;
	_ =	sdelay $0x6  }
.Ltmp0:
0x155: {  	(pc) =	sbr.rel @p0 .LBB2_3-.Ltmp0, $4  }
0x156: {  	_ = 	snop  }
0x157: {  	v24 =	vpop (erf)  }
0x158: {  	v26 =	vmul.f32 v24, v27;
	v25 =	vsel vm4, $0x0, v24  }
0x159: {  	s1 =	sadd.s32 $0x80, s1;
	s2 =	sadd.s32 $0x80, s2  }
0x15a: {  	[tilespmem:s17+$0x20] =	vst v26  }
0x15b: {  	v26 =	vld [tilespmem:s18+$0x19F0];
	_ =	sdelay $0x1  }
0x15c: {  	v20 =	vadd.f32 $0.0e+00, v20;
	_ =	sdelay $0x1  }
0x15d: {  	v20 =	vadd.f32 v21, v20  }
0x15e: {  	v45 =	vadd.f32 v26, v22  }
0x15f: {  	v20 =	vadd.f32 v23, v20  }
0x160: {  	v21 =	vmul.f32 v24, v45  }
0x161: {  	v20 =	vadd.f32 v25, v20  }
0x162: {  	[tilespmem:s17+$0x30] =	vst v21  }
0x163: {  	[tilespmem:s12+$0x0] =	vst v20  }
0x164: {  	v20 =	vld [tilespmem:$0x80];
	_ =	sdelay $0x4  }
0x165: {  	v20 =	vshll.u32 v20, $0x4  }
0x166: {  	v20 =	vand.u32 $0x70, v20  }
0x167: {  	v21 =	vld.idx.msk [tilespmem:v7+s3+$0x0], $0xffff;
	v46 =	vor.u32 v7, v20;
	_ =	sdelay $0x4  }
0x168: {  	[tilespmem:v46+s21+$0x0] =	vst.idx.msk $0xffff, v21  }
0x169: {  	v47 =	vor.u32 v8, v20;
	v21 =	vld.idx.msk [tilespmem:v8+s3+$0x0], $0xffff;
	_ =	sdelay $0x4  }
0x16a: {  	[tilespmem:v47+s21+$0x0] =	vst.idx.msk $0xffff, v21  }
0x16b: {  	v48 =	vor.u32 v9, v20;
	v21 =	vld.idx.msk [tilespmem:v9+s3+$0x0], $0xffff;
	_ =	sdelay $0x4  }
0x16c: {  	[tilespmem:v48+s21+$0x0] =	vst.idx.msk $0xffff, v21  }
0x16d: {  	v20 =	vor.u32 v10, v20;
	v21 =	vld.idx.msk [tilespmem:v10+s3+$0x0], $0xffff;
	_ =	sdelay $0x4  }
0x16e: {  	[tilespmem:v20+s21+$0x0] =	vst.idx.msk $0xffff, v21  }
0x16f: {  	v20 =	vld [tilespmem:$0x90];
	_ =	sdelay $0x4  }
0x170: {  	v20 =	vshll.u32 v20, $0x4  }
0x171: {  	v20 =	vand.u32 $0x70, v20  }
0x172: {  	v21 =	vld.idx.msk [tilespmem:v11+s3+$0x0], $0xffff;
	v49 =	vor.u32 v11, v20;
	_ =	sdelay $0x4  }
0x173: {  	[tilespmem:v49+s21+$0x0] =	vst.idx.msk $0xffff, v21  }
0x174: {  	v50 =	vor.u32 v12, v20;
	v21 =	vld.idx.msk [tilespmem:v12+s3+$0x0], $0xffff;
	_ =	sdelay $0x4  }
0x175: {  	[tilespmem:v50+s21+$0x0] =	vst.idx.msk $0xffff, v21  }
0x176: {  	v51 =	vor.u32 v13, v20;
	v21 =	vld.idx.msk [tilespmem:v13+s3+$0x0], $0xffff;
	_ =	sdelay $0x4  }
0x177: {  	[tilespmem:v51+s21+$0x0] =	vst.idx.msk $0xffff, v21  }
0x178: {  	v20 =	vor.u32 v14, v20;
	v21 =	vld.idx.msk [tilespmem:v14+s3+$0x0], $0xffff;
	_ =	sdelay $0x4  }
0x179: {  	[tilespmem:v20+s21+$0x0] =	vst.idx.msk $0xffff, v21  }
0x17a: {  	v20 =	vld [tilespmem:$0x98];
	_ =	sdelay $0x4  }
0x17b: {  	v20 =	vshll.u32 v20, $0x4  }
0x17c: {  	v20 =	vand.u32 $0x70, v20  }
0x17d: {  	v21 =	vld.idx.msk [tilespmem:v15+s3+$0x0], $0xffff;
	v52 =	vor.u32 v15, v20;
	_ =	sdelay $0x4  }
0x17e: {  	[tilespmem:v52+s21+$0x0] =	vst.idx.msk $0xffff, v21  }
0x17f: {  	v53 =	vor.u32 v16, v20;
	v21 =	vld.idx.msk [tilespmem:v16+s3+$0x0], $0xffff;
	_ =	sdelay $0x4  }
0x180: {  	[tilespmem:v53+s21+$0x0] =	vst.idx.msk $0xffff, v21  }
0x181: {  	v54 =	vor.u32 v17, v20;
	v21 =	vld.idx.msk [tilespmem:v17+s3+$0x0], $0xffff;
	_ =	sdelay $0x4  }
0x182: {  	[tilespmem:v54+s21+$0x0] =	vst.idx.msk $0xffff, v21  }
0x183: {  	v20 =	vor.u32 v18, v20;
	v21 =	vld.idx.msk [tilespmem:v18+s3+$0x0], $0xffff;
	_ =	sdelay $0x4  }
0x184: {  	s1 =	rddreg [dreg:$0x3];
	[tilespmem:v20+s21+$0x0] =	vst.idx.msk $0xffff, v21  }
0x185: {  	[spmem:s1] =	stream.indirect.scatter.add.f32 [tilespmem:s6], [sflag:$0x2], $0x80, s22, s23, $0xb8;
	[tilespmem:$0x1F580] =	vst v63  }
0x186: {  	_ =	swait.ge [sflag:s19], $0x1400  }
0x187: {  	[sflag:s19] =	ssyncset.done $0x0  }
0x188: {  	[sflag:s19] =	ssyncadd.s32 $0xFFFFEC00  }
0x189: {  	[spmem:s5] =	stream.indirect.scatter.add.f32 [tilespmem:s21], [sflag:$0x2], $0x80, s11, s23, $0xb8;
	[tilespmem:$0x1F580] =	vst v63  }
0x18a: {  	_ =	swait.ge [sflag:s19], $0x1400  }
0x18b: {  	[sflag:s19] =	ssyncset.done $0x0  }
0x18c: {  	[sflag:s19] =	ssyncadd.s32 $0xFFFFEC00  }
0x18d: {  	v20 =	vld [tilespmem:$0x80];
	_ =	sdelay $0x4  }
0x18e: {  	v20 =	vshll.u32 v20, $0x4  }
0x18f: {  	v20 =	vand.u32 $0x70, v20  }
0x190: {  	v55 =	vor.u32 v7, v20  }
0x191: {  	v56 =	vor.u32 v8, v20  }
0x192: {  	v57 =	vor.u32 v9, v20  }
0x193: {  	v20 =	vor.u32 v10, v20;
	_ =	sdelay $0x1  }
0x194: {  	[tilespmem:v55+s21+$0x0] =	vst.idx.msk $0xffff, v19  }
0x195: {  	[tilespmem:v56+s21+$0x0] =	vst.idx.msk $0xffff, v19  }
0x196: {  	[tilespmem:v57+s21+$0x0] =	vst.idx.msk $0xffff, v19  }
0x197: {  	[tilespmem:v20+s21+$0x0] =	vst.idx.msk $0xffff, v19  }
0x198: {  	v20 =	vld [tilespmem:$0x90];
	_ =	sdelay $0x4  }
0x199: {  	v20 =	vshll.u32 v20, $0x4  }
0x19a: {  	v20 =	vand.u32 $0x70, v20  }
0x19b: {  	v58 =	vor.u32 v11, v20  }
0x19c: {  	v59 =	vor.u32 v12, v20  }
0x19d: {  	v60 =	vor.u32 v13, v20  }
0x19e: {  	v20 =	vor.u32 v14, v20;
	_ =	sdelay $0x1  }
0x19f: {  	[tilespmem:v58+s21+$0x0] =	vst.idx.msk $0xffff, v19  }
0x1a0: {  	[tilespmem:v59+s21+$0x0] =	vst.idx.msk $0xffff, v19  }
0x1a1: {  	[tilespmem:v60+s21+$0x0] =	vst.idx.msk $0xffff, v19  }
0x1a2: {  	[tilespmem:v20+s21+$0x0] =	vst.idx.msk $0xffff, v19  }
0x1a3: {  	v20 =	vld [tilespmem:$0x98];
	_ =	sdelay $0x4  }
0x1a4: {  	v20 =	vshll.u32 v20, $0x4  }
0x1a5: {  	v20 =	vand.u32 $0x70, v20  }
0x1a6: {  	v61 =	vor.u32 v15, v20  }
0x1a7: {  	v62 =	vor.u32 v16, v20  }
0x1a8: {  	s10 =	sadd.s32 $0x1, s10;
	v63 =	vor.u32 v17, v20  }
0x1a9: {  	p0 =	sne.s32 s10, $0xFA;
	v20 =	vor.u32 v18, v20  }
.Ltmp1:
0x1aa: {  	_ = 	snop;
	(pc) =	sbr.rel @p0 .LBB2_2-.Ltmp1, $4  }
0x1ab: {  	[tilespmem:v61+s21+$0x0] =	vst.idx.msk $0xffff, v19  }
0x1ac: {  	[tilespmem:v62+s21+$0x0] =	vst.idx.msk $0xffff, v19  }
0x1ad: {  	[tilespmem:v63+s21+$0x0] =	vst.idx.msk $0xffff, v19  }
0x1ae: {  	[tilespmem:v20+s21+$0x0] =	vst.idx.msk $0xffff, v19  }
0x1af: {  	[bflag:$0x0] =	sbarrier.arrive $0xFFFF  }
0x1b0: {  	s4 =	rddreg [dreg:$0x8]  }
0x1b1: {  	s1 =	rddreg [dreg:$0xa]  }
0x1b2: {  	s10 =	rddreg [dreg:$0xd]  }
0x1b3: {  	[hbm:s1], [sflag:s4] =	dma.local [spmem:s10], $0x2800  }
0x1b4: {  	_ =	swait.ge [sflag:s19], $0x2800  }
0x1b5: {  	[sflag:s19] =	ssyncset.done $0x0;
	s18 =	rddreg [dreg:$0xb]  }
0x1b6: {  	s2 =	rddreg [dreg:$0xe];
	[sflag:s19] =	ssyncadd.s32 $0xFFFFD800  }
0x1b7: {  	[hbm:s18], [sflag:s4] =	dma.local [spmem:s2], $0x500  }
0x1b8: {  	_ =	swait.ge [sflag:s19], $0x500  }
0x1b9: {  	s12 =	rddreg [dreg:$0xf]  }
0x1ba: {  	s20 =	rddreg [dreg:$0xc];
	s12 =	sadd.s32 $0x1, s12  }
0x1bb: {  	p0 =	sne.s32 s12, s20  }
.Ltmp2:
0x1bc: {  	_ = 	snop;
	(pc) =	sbr.rel @p0 .LBB2_1-.Ltmp2, $3  }
0x1bd: {  	_ =	sdelay $0x1  }
0x1be: {  	[sflag:s19] =	ssyncset.done $0x0  }
0x1bf: {  	[sflag:s19] =	ssyncadd.s32 $0xFFFFFB00  }
0x1c0: {  	_ =	sfence.sel $0x180000  }
0x1c1: {  	[bflag:$0x0] =	sbarrier.arrive $0xFFFF  }
0x1c2: {  	_ =	strace $0x90000047  }
0x1c3: {  	s0 =	stileid.u32;
	[bflag:$0x2] =	sbarrier.arrive $0xFFFF  }
0x1c4: {  	p0 =	sne.s32 s0, $0x0;
	s0 =	rddreg [dreg:$0x5]  }
0x1c5: {  	s0 =	sadd.s32 @!p0 $0x100000, s0  }
0x1c6: {  	[sflag:s0] =	ssyncadd.tile.s32 @!p0 $0x1;
	_ =	shalt  }
.Lfunc_end2:
_tile_overlayer_lowered:
.L_overlay_start_2:
0x1c7: {  	(tag) =	ssettag $0x2  }
0x1c8: {  	s0 =	rddreg [dreg:$0x0];
	s2 =	stileid.u32  }
0x1c9: {  	s1 =	rddreg [dreg:$0x1];
	p0 =	sne.s32 s2, $0x0  }
0x1ca: {  	s3 =	rddreg [dreg:$0x2];
	[bflag:$0x3] =	sbarrier.arrive $0xFFFF;
	s2 =	simm.s32 @!p0 $0x1C02  }
0x1cb: {  	[timem:s3], [sflag:s2] =	dma.local @!p0 [hbm:s0], s1  }
0x1cc: {  	s0 =	simm.s32 @!p0 $0x2  }
0x1cd: {  	_ =	swait.ge @!p0 [sflag:s0], s1  }
0x1ce: {  	s1 =	ssub.s32 @!p0 $0x0, s1;
	[sflag:s0] =	ssyncset.done @!p0 $0x0  }
0x1cf: {  	[sflag:s0] =	ssyncadd.s32 @!p0 s1  }
0x1d0: {  	[bflag:$0x3] =	sbarrier.arrive $0xFFFF  }
0x1d1: {  	_ =	shalt  }

</sc_bundles>
